<compile_context>
chip_gen: v7x
topology: tpu7x:2x2x1
jax: 0.10.2.dev20260603
libtpu: 0.0.44.dev20260713+nightly
codegen_flags: <defaults>
</compile_context>

<pallas_src>
import functools

import jax
import jax.numpy as jnp
from jax import lax
from jax.experimental import pallas as pl
from jax.experimental.pallas import tpu as pltpu
from jax.experimental.pallas import tpu_sc as plsc

N = 10000
E = 320000
D = 128

NC = 2
NS = 16
L = 16
NW = NC * NS

NP = 10240
SPT = NP // NS
EPT_DEG = E // NS
NPA = 10112
RPT = NPA // NS
EPC = E // NW
CH = 120
NCH = 84
EPP = NCH * CH
NPAD = EPP - EPC

_MESH = plsc.VectorSubcoreMesh(
    core_axis_name="c", subcore_axis_name="s", num_cores=NC, num_subcores=NS)


def _rsqrt16(x):
    xi = plsc.bitcast(x, jnp.int32)
    yi = jnp.int32(0x5F3759DF) - (xi >> 1)
    y = plsc.bitcast(yi, jnp.float32)
    for _ in range(3):
        y = y * (1.5 - 0.5 * x * y * y)
    return y


def _dis_body(row_hbm, dis_hbm, idx_v, hist_v, dis_v, merged_v, shist):
    cid = lax.axis_index("c")
    sid = lax.axis_index("s")

    def zero(i, c):
        hist_v[pl.ds(i * L, L)] = jnp.zeros((L,), jnp.float32)
        return c
    lax.fori_loop(0, NP // L, zero, 0)

    pltpu.sync_copy(row_hbm.at[pl.ds(sid * EPT_DEG, EPT_DEG)], idx_v)

    ones = jnp.ones((L,), jnp.float32)

    def hist(i, c):
        for u in range(10):
            idx = idx_v[pl.ds(i * (10 * L) + u * L, L)]
            plsc.addupdate_scatter(hist_v, [idx], ones)
        return c
    lax.fori_loop(0, EPT_DEG // (10 * L), hist, 0)

    pltpu.sync_copy(hist_v, shist.at[sid])
    plsc.subcore_barrier()
    pltpu.sync_copy(shist.at[:, pl.ds(sid * SPT, SPT)], merged_v)

    def merge(j, c):
        acc = jnp.ones((L,), jnp.float32)
        for s in range(NS):
            acc = acc + merged_v[s, pl.ds(j * L, L)]
        dis_v[pl.ds(j * L, L)] = _rsqrt16(acc)
        return c
    lax.fori_loop(0, SPT // L, merge, 0)

    @pl.when(cid == 0)
    def _():
        pltpu.sync_copy(dis_v, dis_hbm.at[pl.ds(sid * SPT, SPT)])


_dis_call = functools.partial(
    pl.kernel,
    out_type=jax.ShapeDtypeStruct((NP,), jnp.float32),
    mesh=_MESH,
    scratch_types=[
        pltpu.VMEM((EPT_DEG,), jnp.int32),
        pltpu.VMEM((NP,), jnp.float32),
        pltpu.VMEM((SPT,), jnp.float32),
        pltpu.VMEM((NS, SPT), jnp.float32),
        pltpu.VMEM_SHARED((NS, NP), jnp.float32),
    ],
    compiler_params=pltpu.CompilerParams(needs_layout_passes=False),
)(_dis_body)


def _scatter_body(hs_hbm, row_hbm, col_hbm, acc_hbm,
                  idx_v, gbuf_v, acc_sh, csem, rsem, gsem):
    cid = lax.axis_index("c")
    sid = lax.axis_index("s")
    wid = cid * NS + sid

    def zrow(r, c):
        for u in range(D // L):
            gbuf_v[0, r, pl.ds(u * L, L)] = jnp.zeros((L,), jnp.float32)
        return c
    lax.fori_loop(0, CH, zrow, 0)
    for t in range(RPT // CH):
        pltpu.sync_copy(gbuf_v.at[0],
                        acc_sh.at[pl.ds(sid * RPT + t * CH, CH)])
    rem = RPT % CH
    if rem:
        pltpu.sync_copy(gbuf_v.at[0, pl.ds(0, rem)],
                        acc_sh.at[pl.ds(sid * RPT + RPT - rem, rem)])
    plsc.subcore_barrier()


    def load_idx(k):
        s = k % 4
        pltpu.async_copy(col_hbm.at[wid, k], idx_v.at[s], csem.at[s])
        pltpu.async_copy(row_hbm.at[wid, k], idx_v.at[4 + s], rsem.at[s])

    def wait_cidx(k):
        s = k % 4
        pltpu.make_async_copy(
            col_hbm.at[wid, k], idx_v.at[s], csem.at[s]).wait()

    def wait_ridx(k):
        s = k % 4
        pltpu.make_async_copy(
            row_hbm.at[wid, k], idx_v.at[4 + s], rsem.at[s]).wait()

    def gather(k):
        pltpu.async_copy(
            hs_hbm.at[idx_v.at[k % 4]], gbuf_v.at[k % 3], gsem.at[k % 3])

    def wait_gather(k):
        pltpu.make_async_copy(
            hs_hbm.at[idx_v.at[k % 4]], gbuf_v.at[k % 3],
            gsem.at[k % 3]).wait()

    load_idx(0)
    load_idx(1)
    load_idx(2)
    wait_cidx(0)
    gather(0)
    wait_cidx(1)
    gather(1)

    def body(k, c):
        @pl.when(k + 2 < NCH)
        def _():
            wait_cidx(k + 2)
            gather(k + 2)

        @pl.when(k + 3 < NCH)
        def _():
            load_idx(k + 3)

        wait_gather(k)
        wait_ridx(k)
        pltpu.sync_copy(gbuf_v.at[k % 3], acc_sh.at[idx_v.at[4 + k % 4]],
                        add=True)
        return c
    lax.fori_loop(0, NCH, body, 0)

    plsc.subcore_barrier()
    pltpu.sync_copy(acc_sh.at[pl.ds(sid * RPT, RPT)],
                    acc_hbm.at[cid, pl.ds(sid * RPT, RPT)])


_scatter_call = functools.partial(
    pl.kernel,
    out_type=jax.ShapeDtypeStruct((NC, NPA, D), jnp.float32),
    mesh=_MESH,
    scratch_types=[
        pltpu.VMEM((8, CH), jnp.int32),
        pltpu.VMEM((3, CH, D), jnp.float32),
        pltpu.VMEM_SHARED((NPA, D), jnp.float32),
        pltpu.SemaphoreType.DMA((4,)),
        pltpu.SemaphoreType.DMA((4,)),
        pltpu.SemaphoreType.DMA((3,)),
    ],
    compiler_params=pltpu.CompilerParams(needs_layout_passes=False),
)(_scatter_body)


BM = 400


def _matmul_body(x_ref, d_ref, w_ref, o_ref):
    o_ref[...] = jnp.dot(x_ref[...] * d_ref[...], w_ref[...],
                         preferred_element_type=jnp.float32)


def _matmul_call(x, d2, w):
    return pl.pallas_call(
        _matmul_body,
        grid=(N // BM,),
        in_specs=[
            pl.BlockSpec((BM, D), lambda i: (i, 0)),
            pl.BlockSpec((BM, 1), lambda i: (i, 0)),
            pl.BlockSpec((D, D), lambda i: (0, 0)),
        ],
        out_specs=pl.BlockSpec((BM, D), lambda i: (i, 0)),
        out_shape=jax.ShapeDtypeStruct((N, D), jnp.float32),
    )(x, d2, w)


def _merge_body(a0_ref, a1_ref, hs_ref, d_ref, b_ref, o_ref):
    o_ref[...] = (d_ref[...] * (a0_ref[0] + a1_ref[0] + hs_ref[...])
                  + b_ref[...])


def _merge_call(acc, hs, d2, b2):
    return pl.pallas_call(
        _merge_body,
        grid=(N // BM,),
        in_specs=[
            pl.BlockSpec((1, BM, D), lambda i: (0, i, 0)),
            pl.BlockSpec((1, BM, D), lambda i: (1, i, 0)),
            pl.BlockSpec((BM, D), lambda i: (i, 0)),
            pl.BlockSpec((BM, 1), lambda i: (i, 0)),
            pl.BlockSpec((1, D), lambda i: (0, 0)),
        ],
        out_specs=pl.BlockSpec((BM, D), lambda i: (i, 0)),
        out_shape=jax.ShapeDtypeStruct((N, D), jnp.float32),
    )(acc, acc, hs, d2, b2)


def kernel(nodes_ft, adj_list, W, b):
    row = adj_list[0]
    col = adj_list[1]
    dis_pad = _dis_call(row)
    d2 = dis_pad[:, None]
    hs = _matmul_call(nodes_ft, d2, W)
    pad_col = jnp.broadcast_to((jnp.arange(NPAD, dtype=jnp.int32) * 89) % N,
                               (NW, NPAD))
    pad_row = jnp.broadcast_to(
        N + jnp.arange(NPAD, dtype=jnp.int32) % (NPA - N), (NW, NPAD))
    row3 = jnp.concatenate([row.reshape(NW, EPC), pad_row],
                           axis=1).reshape(NW, NCH, CH)
    col3 = jnp.concatenate([col.reshape(NW, EPC), pad_col],
                           axis=1).reshape(NW, NCH, CH)
    acc = _scatter_call(hs, row3, col3)
    out = _merge_call(acc, hs, d2, b.reshape(1, D))
    return out

# --- scband reference (transcript-rebuilt; emitter-appended) ---
"""Pipeline reference for scband-gcnconv-48524540510776 (READ-ONLY COPY).

The authoritative reference and input builder live on the scoring server;
editing this copy changes nothing except your own understanding.
"""

import jax, jax.numpy as jnp
import numpy as np

N = 10000
E = 320000
D_IN = 128
D_OUT = 128


def setup_inputs(seed: int = 0) -> dict:
    key = jax.random.key(seed)
    k1, k2, k3 = jax.random.split(key, 3)
    nodes_ft = jax.random.normal(k1, (N, D_IN), dtype=jnp.float32)
    adj_list = jax.random.randint(k2, (2, E), 0, N, dtype=jnp.int32)
    # xavier_normal_ init: std = sqrt(2 / (fan_in + fan_out))
    std = (2.0 / (D_IN + D_OUT)) ** 0.5
    W = jax.random.normal(k3, (D_IN, D_OUT), dtype=jnp.float32) * std
    b = jnp.zeros((D_OUT,), dtype=jnp.float32)
    return {"nodes_ft": nodes_ft, "adj_list": adj_list, "W": W, "b": b}


def reference(nodes_ft, adj_list, W, b):
    num_nodes = nodes_ft.shape[0]
    # linear transform (dropout in original is a no-op: result discarded / eval mode)
    h = nodes_ft @ W
    # add self loops
    loops = jnp.arange(num_nodes, dtype=adj_list.dtype)
    ei = jnp.concatenate([adj_list, jnp.stack([loops, loops], axis=0)], axis=1)
    ew = jnp.ones((ei.shape[1],), dtype=jnp.float32)
    row = ei[0]
    col = ei[1]
    # symmetric degree normalization
    deg = jnp.zeros((num_nodes,), dtype=jnp.float32).at[row].add(ew)
    dis = jnp.power(deg, -0.5)
    dis = jnp.where(jnp.isinf(dis), 0.0, dis)
    alpha = dis[row] * ew * dis[col]
    # gather source-node features, weight by alpha, scatter-add to dst nodes
    vals = jnp.take(h, col, axis=0) * alpha[:, None]
    out = jnp.zeros((num_nodes, h.shape[1]), dtype=h.dtype).at[row].add(vals)
    return out + b

if __name__ == "__main__":
    import jax
    _d = setup_inputs()
    print(jax.jit(kernel)(*tuple(_d.values())))

</pallas_src>

<mosaic_0001>
#map = affine_map<(d0, d1) -> (0)>
module attributes {stable_mosaic.version = 14 : i64} {
  func.func @_dis_body(%arg0: i32, %arg1: i32, %arg2: memref<320000xi32, #tpu.memory_space<hbm>>, %arg3: memref<10240xf32, #tpu.memory_space<hbm>>, %arg4: memref<20000xi32, #tpu.memory_space<vmem>>, %arg5: memref<10240xf32, #tpu.memory_space<vmem>>, %arg6: memref<640xf32, #tpu.memory_space<vmem>>, %arg7: memref<16x640xf32, #tpu.memory_space<vmem>>, %arg8: memref<16x10240xf32, #tpu.memory_space<vmem_shared>>) attributes {dimension_semantics = [#tpu.dimension_semantics<core_parallel>, #tpu.dimension_semantics<subcore_parallel>], iteration_bounds = array<i64: 2, 16>, scalar_prefetch = 0 : i64, scratch_operands = 5 : i64, tpu.core_type = #tpu.core_type<sc_vector_subcore>, window_params = [{transform_indices = #map}, {transform_indices = #map}]} {
    %scan3A = arith.constant 0 : i32
    %scan3A_0 = arith.constant 0 : i32
    %scan3A_1 = arith.constant 640 : i32
    %scan3A_2 = arith.addi %scan3A_0, %scan3A_1 : i32
    %scan3A_3 = arith.constant 1 : i32
    scf.for %scan3A_23 = %scan3A_0 to %scan3A_2 step %scan3A_3  : i32 {
      %broadcast_in_dim3A_24 = arith.constant 0.000000e+00 : f32
      %broadcast_in_dim3A_25 = vector.broadcast %broadcast_in_dim3A_24 : f32 to vector<16xf32>
      %mul3A_26 = arith.constant 16 : i32
      %mul3A_27 = arith.muli %scan3A_23, %mul3A_26 : i32
      %swap3A = arith.index_cast %mul3A_27 : i32 to index
      %swap3A_28 = tpu.vector_load %arg5[%swap3A] {strides = array<i32>} : memref<10240xf32, #tpu.memory_space<vmem>>, vector<16xf32>,
      tpu.vector_store %arg5[%swap3A], %broadcast_in_dim3A_25 {strides = array<i32>} : memref<10240xf32, #tpu.memory_space<vmem>>, vector<16xf32>,
    }
    %scan3A_4 = arith.constant 640 : i32
    %mul3A = arith.constant 20000 : i32
    %mul3A_5 = arith.muli %arg1, %mul3A : i32
    "tpu.region"() ({
      %run_scoped3A = tpu.sem_alloc : memref<!tpu.dma_semaphore, #tpu.memory_space<semaphore_mem>>
      %dma_start3A = tpu.memref_slice %arg2[%mul3A_5] : memref<320000xi32, #tpu.memory_space<hbm>> -> memref<20000xi32, #tpu.memory_space<hbm>>
      %dma_start3A_23 = tpu.memref_slice %arg2[%mul3A_5] : memref<320000xi32, #tpu.memory_space<hbm>> -> memref<20000xi32, #tpu.memory_space<hbm>>
      tpu.enqueue_dma source(%dma_start3A_23 : memref<20000xi32, #tpu.memory_space<hbm>>) target(%arg4 : memref<20000xi32, #tpu.memory_space<vmem>>) target_semaphore(%run_scoped3A : memref<!tpu.dma_semaphore, #tpu.memory_space<semaphore_mem>>)
      %dma_wait3A = tpu.memref_slice %arg2[%mul3A_5] : memref<320000xi32, #tpu.memory_space<hbm>> -> memref<20000xi32, #tpu.memory_space<hbm>>
      %dma_wait3A_24 = tpu.memref_slice %arg2[%mul3A_5] : memref<320000xi32, #tpu.memory_space<hbm>> -> memref<20000xi32, #tpu.memory_space<hbm>>
      tpu.wait_dma2 semaphore(%run_scoped3A : memref<!tpu.dma_semaphore, #tpu.memory_space<semaphore_mem>>) src(%dma_wait3A_24 : memref<20000xi32, #tpu.memory_space<hbm>>) dst(%arg4 : memref<20000xi32, #tpu.memory_space<vmem>>)
      tpu.yield
    }) : () -> ()
    %broadcast_in_dim3A = arith.constant 1.000000e+00 : f32
    %broadcast_in_dim3A_6 = vector.broadcast %broadcast_in_dim3A : f32 to vector<16xf32>
    %scan3A_7 = arith.constant 0 : i32
    %scan3A_8 = arith.constant 0 : i32
    %scan3A_9 = arith.constant 125 : i32
    %scan3A_10 = arith.addi %scan3A_8, %scan3A_9 : i32
    %scan3A_11 = arith.constant 1 : i32
    scf.for %scan3A_23 = %scan3A_8 to %scan3A_10 step %scan3A_11  : i32 {
      %mul3A_24 = arith.constant 160 : i32
      %mul3A_25 = arith.muli %scan3A_23, %mul3A_24 : i32
      %add3A = arith.constant 0 : i32
      %add3A_26 = arith.addi %mul3A_25, %add3A : i32
      %get3A = arith.index_cast %add3A_26 : i32 to index
      %get3A_27 = tpu.vector_load %arg4[%get3A] {strides = array<i32>} : memref<20000xi32, #tpu.memory_space<vmem>>, vector<16xi32>,
      tpu.vector_store_idx %arg5[%get3A_27], %broadcast_in_dim3A_6 {add = true} : memref<10240xf32, #tpu.memory_space<vmem>>[vector<16xi32>], vector<16xf32>,
      %mul3A_28 = arith.constant 160 : i32
      %mul3A_29 = arith.muli %scan3A_23, %mul3A_28 : i32
      %add3A_30 = arith.constant 16 : i32
      %add3A_31 = arith.addi %mul3A_29, %add3A_30 : i32
      %get3A_32 = arith.index_cast %add3A_31 : i32 to index
      %get3A_33 = tpu.vector_load %arg4[%get3A_32] {strides = array<i32>} : memref<20000xi32, #tpu.memory_space<vmem>>, vector<16xi32>,
      tpu.vector_store_idx %arg5[%get3A_33], %broadcast_in_dim3A_6 {add = true} : memref<10240xf32, #tpu.memory_space<vmem>>[vector<16xi32>], vector<16xf32>,
      %mul3A_34 = arith.constant 160 : i32
      %mul3A_35 = arith.muli %scan3A_23, %mul3A_34 : i32
      %add3A_36 = arith.constant 32 : i32
      %add3A_37 = arith.addi %mul3A_35, %add3A_36 : i32
      %get3A_38 = arith.index_cast %add3A_37 : i32 to index
      %get3A_39 = tpu.vector_load %arg4[%get3A_38] {strides = array<i32>} : memref<20000xi32, #tpu.memory_space<vmem>>, vector<16xi32>,
      tpu.vector_store_idx %arg5[%get3A_39], %broadcast_in_dim3A_6 {add = true} : memref<10240xf32, #tpu.memory_space<vmem>>[vector<16xi32>], vector<16xf32>,
      %mul3A_40 = arith.constant 160 : i32
      %mul3A_41 = arith.muli %scan3A_23, %mul3A_40 : i32
      %add3A_42 = arith.constant 48 : i32
      %add3A_43 = arith.addi %mul3A_41, %add3A_42 : i32
      %get3A_44 = arith.index_cast %add3A_43 : i32 to index
      %get3A_45 = tpu.vector_load %arg4[%get3A_44] {strides = array<i32>} : memref<20000xi32, #tpu.memory_space<vmem>>, vector<16xi32>,
      tpu.vector_store_idx %arg5[%get3A_45], %broadcast_in_dim3A_6 {add = true} : memref<10240xf32, #tpu.memory_space<vmem>>[vector<16xi32>], vector<16xf32>,
      %mul3A_46 = arith.constant 160 : i32
      %mul3A_47 = arith.muli %scan3A_23, %mul3A_46 : i32
      %add3A_48 = arith.constant 64 : i32
      %add3A_49 = arith.addi %mul3A_47, %add3A_48 : i32
      %get3A_50 = arith.index_cast %add3A_49 : i32 to index
      %get3A_51 = tpu.vector_load %arg4[%get3A_50] {strides = array<i32>} : memref<20000xi32, #tpu.memory_space<vmem>>, vector<16xi32>,
      tpu.vector_store_idx %arg5[%get3A_51], %broadcast_in_dim3A_6 {add = true} : memref<10240xf32, #tpu.memory_space<vmem>>[vector<16xi32>], vector<16xf32>,
      %mul3A_52 = arith.constant 160 : i32
      %mul3A_53 = arith.muli %scan3A_23, %mul3A_52 : i32
      %add3A_54 = arith.constant 80 : i32
      %add3A_55 = arith.addi %mul3A_53, %add3A_54 : i32
      %get3A_56 = arith.index_cast %add3A_55 : i32 to index
      %get3A_57 = tpu.vector_load %arg4[%get3A_56] {strides = array<i32>} : memref<20000xi32, #tpu.memory_space<vmem>>, vector<16xi32>,
      tpu.vector_store_idx %arg5[%get3A_57], %broadcast_in_dim3A_6 {add = true} : memref<10240xf32, #tpu.memory_space<vmem>>[vector<16xi32>], vector<16xf32>,
      %mul3A_58 = arith.constant 160 : i32
      %mul3A_59 = arith.muli %scan3A_23, %mul3A_58 : i32
      %add3A_60 = arith.constant 96 : i32
      %add3A_61 = arith.addi %mul3A_59, %add3A_60 : i32
      %get3A_62 = arith.index_cast %add3A_61 : i32 to index
      %get3A_63 = tpu.vector_load %arg4[%get3A_62] {strides = array<i32>} : memref<20000xi32, #tpu.memory_space<vmem>>, vector<16xi32>,
      tpu.vector_store_idx %arg5[%get3A_63], %broadcast_in_dim3A_6 {add = true} : memref<10240xf32, #tpu.memory_space<vmem>>[vector<16xi32>], vector<16xf32>,
      %mul3A_64 = arith.constant 160 : i32
      %mul3A_65 = arith.muli %scan3A_23, %mul3A_64 : i32
      %add3A_66 = arith.constant 112 : i32
      %add3A_67 = arith.addi %mul3A_65, %add3A_66 : i32
      %get3A_68 = arith.index_cast %add3A_67 : i32 to index
      %get3A_69 = tpu.vector_load %arg4[%get3A_68] {strides = array<i32>} : memref<20000xi32, #tpu.memory_space<vmem>>, vector<16xi32>,
      tpu.vector_store_idx %arg5[%get3A_69], %broadcast_in_dim3A_6 {add = true} : memref<10240xf32, #tpu.memory_space<vmem>>[vector<16xi32>], vector<16xf32>,
      %mul3A_70 = arith.constant 160 : i32
      %mul3A_71 = arith.muli %scan3A_23, %mul3A_70 : i32
      %add3A_72 = arith.constant 128 : i32
      %add3A_73 = arith.addi %mul3A_71, %add3A_72 : i32
      %get3A_74 = arith.index_cast %add3A_73 : i32 to index
      %get3A_75 = tpu.vector_load %arg4[%get3A_74] {strides = array<i32>} : memref<20000xi32, #tpu.memory_space<vmem>>, vector<16xi32>,
      tpu.vector_store_idx %arg5[%get3A_75], %broadcast_in_dim3A_6 {add = true} : memref<10240xf32, #tpu.memory_space<vmem>>[vector<16xi32>], vector<16xf32>,
      %mul3A_76 = arith.constant 160 : i32
      %mul3A_77 = arith.muli %scan3A_23, %mul3A_76 : i32
      %add3A_78 = arith.constant 144 : i32
      %add3A_79 = arith.addi %mul3A_77, %add3A_78 : i32
      %get3A_80 = arith.index_cast %add3A_79 : i32 to index
      %get3A_81 = tpu.vector_load %arg4[%get3A_80] {strides = array<i32>} : memref<20000xi32, #tpu.memory_space<vmem>>, vector<16xi32>,
      tpu.vector_store_idx %arg5[%get3A_81], %broadcast_in_dim3A_6 {add = true} : memref<10240xf32, #tpu.memory_space<vmem>>[vector<16xi32>], vector<16xf32>,
    }
    %scan3A_12 = arith.constant 125 : i32
    "tpu.region"() ({
      %run_scoped3A = tpu.sem_alloc : memref<!tpu.dma_semaphore, #tpu.memory_space<semaphore_mem>>
      %dma_start3A = arith.constant 0 : i32
      %dma_start3A_23 = tpu.memref_slice %arg8[%arg1, %dma_start3A] : memref<16x10240xf32, #tpu.memory_space<vmem_shared>> -> memref<1x10240xf32, #tpu.memory_space<vmem_shared>>
      %dma_start3A_24 = tpu.memref_squeeze %dma_start3A_23 : memref<1x10240xf32, #tpu.memory_space<vmem_shared>> -> memref<10240xf32, #tpu.memory_space<vmem_shared>>
      %dma_start3A_25 = arith.constant 0 : i32
      %dma_start3A_26 = tpu.memref_slice %arg8[%arg1, %dma_start3A_25] : memref<16x10240xf32, #tpu.memory_space<vmem_shared>> -> memref<1x10240xf32, #tpu.memory_space<vmem_shared>>
      %dma_start3A_27 = tpu.memref_squeeze %dma_start3A_26 : memref<1x10240xf32, #tpu.memory_space<vmem_shared>> -> memref<10240xf32, #tpu.memory_space<vmem_shared>>
      tpu.enqueue_dma source(%arg5 : memref<10240xf32, #tpu.memory_space<vmem>>) target(%dma_start3A_27 : memref<10240xf32, #tpu.memory_space<vmem_shared>>) target_semaphore(%run_scoped3A : memref<!tpu.dma_semaphore, #tpu.memory_space<semaphore_mem>>)
      %dma_wait3A = arith.constant 0 : i32
      %dma_wait3A_28 = tpu.memref_slice %arg8[%arg1, %dma_wait3A] : memref<16x10240xf32, #tpu.memory_space<vmem_shared>> -> memref<1x10240xf32, #tpu.memory_space<vmem_shared>>
      %dma_wait3A_29 = tpu.memref_squeeze %dma_wait3A_28 : memref<1x10240xf32, #tpu.memory_space<vmem_shared>> -> memref<10240xf32, #tpu.memory_space<vmem_shared>>
      %dma_wait3A_30 = arith.constant 0 : i32
      %dma_wait3A_31 = tpu.memref_slice %arg8[%arg1, %dma_wait3A_30] : memref<16x10240xf32, #tpu.memory_space<vmem_shared>> -> memref<1x10240xf32, #tpu.memory_space<vmem_shared>>
      %dma_wait3A_32 = tpu.memref_squeeze %dma_wait3A_31 : memref<1x10240xf32, #tpu.memory_space<vmem_shared>> -> memref<10240xf32, #tpu.memory_space<vmem_shared>>
      tpu.wait_dma2 semaphore(%run_scoped3A : memref<!tpu.dma_semaphore, #tpu.memory_space<semaphore_mem>>) src(%arg5 : memref<10240xf32, #tpu.memory_space<vmem>>) dst(%dma_wait3A_32 : memref<10240xf32, #tpu.memory_space<vmem_shared>>)
      tpu.yield
    }) : () -> ()
    %barrier3A = arith.constant 0 : index
    tpu.barrier barrier_id(%barrier3A)
    %mul3A_13 = arith.constant 640 : i32
    %mul3A_14 = arith.muli %arg1, %mul3A_13 : i32
    "tpu.region"() ({
      %run_scoped3A = tpu.sem_alloc : memref<!tpu.dma_semaphore, #tpu.memory_space<semaphore_mem>>
      %dma_start3A = arith.constant 0 : i32
      %dma_start3A_23 = tpu.memref_slice %arg8[%dma_start3A, %mul3A_14] : memref<16x10240xf32, #tpu.memory_space<vmem_shared>> -> memref<16x640xf32, #tpu.memory_space<vmem_shared>>
      %dma_start3A_24 = arith.constant 0 : i32
      %dma_start3A_25 = tpu.memref_slice %arg8[%dma_start3A_24, %mul3A_14] : memref<16x10240xf32, #tpu.memory_space<vmem_shared>> -> memref<16x640xf32, #tpu.memory_space<vmem_shared>>
      tpu.enqueue_dma source(%dma_start3A_25 : memref<16x640xf32, #tpu.memory_space<vmem_shared>>) target(%arg7 : memref<16x640xf32, #tpu.memory_space<vmem>>) target_semaphore(%run_scoped3A : memref<!tpu.dma_semaphore, #tpu.memory_space<semaphore_mem>>)
      %dma_wait3A = arith.constant 0 : i32
      %dma_wait3A_26 = tpu.memref_slice %arg8[%dma_wait3A, %mul3A_14] : memref<16x10240xf32, #tpu.memory_space<vmem_shared>> -> memref<16x640xf32, #tpu.memory_space<vmem_shared>>
      %dma_wait3A_27 = arith.constant 0 : i32
      %dma_wait3A_28 = tpu.memref_slice %arg8[%dma_wait3A_27, %mul3A_14] : memref<16x10240xf32, #tpu.memory_space<vmem_shared>> -> memref<16x640xf32, #tpu.memory_space<vmem_shared>>
      tpu.wait_dma2 semaphore(%run_scoped3A : memref<!tpu.dma_semaphore, #tpu.memory_space<semaphore_mem>>) src(%dma_wait3A_28 : memref<16x640xf32, #tpu.memory_space<vmem_shared>>) dst(%arg7 : memref<16x640xf32, #tpu.memory_space<vmem>>)
      tpu.yield
    }) : () -> ()
    %scan3A_15 = arith.constant 0 : i32
    %scan3A_16 = arith.constant 0 : i32
    %scan3A_17 = arith.constant 40 : i32
    %scan3A_18 = arith.addi %scan3A_16, %scan3A_17 : i32
    %scan3A_19 = arith.constant 1 : i32
    scf.for %scan3A_23 = %scan3A_16 to %scan3A_18 step %scan3A_19  : i32 {
      %broadcast_in_dim3A_24 = arith.constant 1.000000e+00 : f32
      %broadcast_in_dim3A_25 = vector.broadcast %broadcast_in_dim3A_24 : f32 to vector<16xf32>
      %mul3A_26 = arith.constant 16 : i32
      %mul3A_27 = arith.muli %scan3A_23, %mul3A_26 : i32
      %get3A = arith.constant 0 : i32
      %get3A_28 = arith.index_cast %get3A : i32 to index
      %get3A_29 = arith.index_cast %mul3A_27 : i32 to index
      %get3A_30 = tpu.vector_load %arg7[%get3A_28, %get3A_29] {strides = array<i32>} : memref<16x640xf32, #tpu.memory_space<vmem>>, vector<16xf32>,
      %add3A = arith.addf %broadcast_in_dim3A_25, %get3A_30 : vector<16xf32>
      %mul3A_31 = arith.constant 16 : i32
      %mul3A_32 = arith.muli %scan3A_23, %mul3A_31 : i32
      %get3A_33 = arith.constant 1 : i32
      %get3A_34 = arith.index_cast %get3A_33 : i32 to index
      %get3A_35 = arith.index_cast %mul3A_32 : i32 to index
      %get3A_36 = tpu.vector_load %arg7[%get3A_34, %get3A_35] {strides = array<i32>} : memref<16x640xf32, #tpu.memory_space<vmem>>, vector<16xf32>,
      %add3A_37 = arith.addf %add3A, %get3A_36 : vector<16xf32>
      %mul3A_38 = arith.constant 16 : i32
      %mul3A_39 = arith.muli %scan3A_23, %mul3A_38 : i32
      %get3A_40 = arith.constant 2 : i32
      %get3A_41 = arith.index_cast %get3A_40 : i32 to index
      %get3A_42 = arith.index_cast %mul3A_39 : i32 to index
      %get3A_43 = tpu.vector_load %arg7[%get3A_41, %get3A_42] {strides = array<i32>} : memref<16x640xf32, #tpu.memory_space<vmem>>, vector<16xf32>,
      %add3A_44 = arith.addf %add3A_37, %get3A_43 : vector<16xf32>
      %mul3A_45 = arith.constant 16 : i32
      %mul3A_46 = arith.muli %scan3A_23, %mul3A_45 : i32
      %get3A_47 = arith.constant 3 : i32
      %get3A_48 = arith.index_cast %get3A_47 : i32 to index
      %get3A_49 = arith.index_cast %mul3A_46 : i32 to index
      %get3A_50 = tpu.vector_load %arg7[%get3A_48, %get3A_49] {strides = array<i32>} : memref<16x640xf32, #tpu.memory_space<vmem>>, vector<16xf32>,
      %add3A_51 = arith.addf %add3A_44, %get3A_50 : vector<16xf32>
      %mul3A_52 = arith.constant 16 : i32
      %mul3A_53 = arith.muli %scan3A_23, %mul3A_52 : i32
      %get3A_54 = arith.constant 4 : i32
      %get3A_55 = arith.index_cast %get3A_54 : i32 to index
      %get3A_56 = arith.index_cast %mul3A_53 : i32 to index
      %get3A_57 = tpu.vector_load %arg7[%get3A_55, %get3A_56] {strides = array<i32>} : memref<16x640xf32, #tpu.memory_space<vmem>>, vector<16xf32>,
      %add3A_58 = arith.addf %add3A_51, %get3A_57 : vector<16xf32>
      %mul3A_59 = arith.constant 16 : i32
      %mul3A_60 = arith.muli %scan3A_23, %mul3A_59 : i32
      %get3A_61 = arith.constant 5 : i32
      %get3A_62 = arith.index_cast %get3A_61 : i32 to index
      %get3A_63 = arith.index_cast %mul3A_60 : i32 to index
      %get3A_64 = tpu.vector_load %arg7[%get3A_62, %get3A_63] {strides = array<i32>} : memref<16x640xf32, #tpu.memory_space<vmem>>, vector<16xf32>,
      %add3A_65 = arith.addf %add3A_58, %get3A_64 : vector<16xf32>
      %mul3A_66 = arith.constant 16 : i32
      %mul3A_67 = arith.muli %scan3A_23, %mul3A_66 : i32
      %get3A_68 = arith.constant 6 : i32
      %get3A_69 = arith.index_cast %get3A_68 : i32 to index
      %get3A_70 = arith.index_cast %mul3A_67 : i32 to index
      %get3A_71 = tpu.vector_load %arg7[%get3A_69, %get3A_70] {strides = array<i32>} : memref<16x640xf32, #tpu.memory_space<vmem>>, vector<16xf32>,
      %add3A_72 = arith.addf %add3A_65, %get3A_71 : vector<16xf32>
      %mul3A_73 = arith.constant 16 : i32
      %mul3A_74 = arith.muli %scan3A_23, %mul3A_73 : i32
      %get3A_75 = arith.constant 7 : i32
      %get3A_76 = arith.index_cast %get3A_75 : i32 to index
      %get3A_77 = arith.index_cast %mul3A_74 : i32 to index
      %get3A_78 = tpu.vector_load %arg7[%get3A_76, %get3A_77] {strides = array<i32>} : memref<16x640xf32, #tpu.memory_space<vmem>>, vector<16xf32>,
      %add3A_79 = arith.addf %add3A_72, %get3A_78 : vector<16xf32>
      %mul3A_80 = arith.constant 16 : i32
      %mul3A_81 = arith.muli %scan3A_23, %mul3A_80 : i32
      %get3A_82 = arith.constant 8 : i32
      %get3A_83 = arith.index_cast %get3A_82 : i32 to index
      %get3A_84 = arith.index_cast %mul3A_81 : i32 to index
      %get3A_85 = tpu.vector_load %arg7[%get3A_83, %get3A_84] {strides = array<i32>} : memref<16x640xf32, #tpu.memory_space<vmem>>, vector<16xf32>,
      %add3A_86 = arith.addf %add3A_79, %get3A_85 : vector<16xf32>
      %mul3A_87 = arith.constant 16 : i32
      %mul3A_88 = arith.muli %scan3A_23, %mul3A_87 : i32
      %get3A_89 = arith.constant 9 : i32
      %get3A_90 = arith.index_cast %get3A_89 : i32 to index
      %get3A_91 = arith.index_cast %mul3A_88 : i32 to index
      %get3A_92 = tpu.vector_load %arg7[%get3A_90, %get3A_91] {strides = array<i32>} : memref<16x640xf32, #tpu.memory_space<vmem>>, vector<16xf32>,
      %add3A_93 = arith.addf %add3A_86, %get3A_92 : vector<16xf32>
      %mul3A_94 = arith.constant 16 : i32
      %mul3A_95 = arith.muli %scan3A_23, %mul3A_94 : i32
      %get3A_96 = arith.constant 10 : i32
      %get3A_97 = arith.index_cast %get3A_96 : i32 to index
      %get3A_98 = arith.index_cast %mul3A_95 : i32 to index
      %get3A_99 = tpu.vector_load %arg7[%get3A_97, %get3A_98] {strides = array<i32>} : memref<16x640xf32, #tpu.memory_space<vmem>>, vector<16xf32>,
      %add3A_100 = arith.addf %add3A_93, %get3A_99 : vector<16xf32>
      %mul3A_101 = arith.constant 16 : i32
      %mul3A_102 = arith.muli %scan3A_23, %mul3A_101 : i32
      %get3A_103 = arith.constant 11 : i32
      %get3A_104 = arith.index_cast %get3A_103 : i32 to index
      %get3A_105 = arith.index_cast %mul3A_102 : i32 to index
      %get3A_106 = tpu.vector_load %arg7[%get3A_104, %get3A_105] {strides = array<i32>} : memref<16x640xf32, #tpu.memory_space<vmem>>, vector<16xf32>,
      %add3A_107 = arith.addf %add3A_100, %get3A_106 : vector<16xf32>
      %mul3A_108 = arith.constant 16 : i32
      %mul3A_109 = arith.muli %scan3A_23, %mul3A_108 : i32
      %get3A_110 = arith.constant 12 : i32
      %get3A_111 = arith.index_cast %get3A_110 : i32 to index
      %get3A_112 = arith.index_cast %mul3A_109 : i32 to index
      %get3A_113 = tpu.vector_load %arg7[%get3A_111, %get3A_112] {strides = array<i32>} : memref<16x640xf32, #tpu.memory_space<vmem>>, vector<16xf32>,
      %add3A_114 = arith.addf %add3A_107, %get3A_113 : vector<16xf32>
      %mul3A_115 = arith.constant 16 : i32
      %mul3A_116 = arith.muli %scan3A_23, %mul3A_115 : i32
      %get3A_117 = arith.constant 13 : i32
      %get3A_118 = arith.index_cast %get3A_117 : i32 to index
      %get3A_119 = arith.index_cast %mul3A_116 : i32 to index
      %get3A_120 = tpu.vector_load %arg7[%get3A_118, %get3A_119] {strides = array<i32>} : memref<16x640xf32, #tpu.memory_space<vmem>>, vector<16xf32>,
      %add3A_121 = arith.addf %add3A_114, %get3A_120 : vector<16xf32>
      %mul3A_122 = arith.constant 16 : i32
      %mul3A_123 = arith.muli %scan3A_23, %mul3A_122 : i32
      %get3A_124 = arith.constant 14 : i32
      %get3A_125 = arith.index_cast %get3A_124 : i32 to index
      %get3A_126 = arith.index_cast %mul3A_123 : i32 to index
      %get3A_127 = tpu.vector_load %arg7[%get3A_125, %get3A_126] {strides = array<i32>} : memref<16x640xf32, #tpu.memory_space<vmem>>, vector<16xf32>,
      %add3A_128 = arith.addf %add3A_121, %get3A_127 : vector<16xf32>
      %mul3A_129 = arith.constant 16 : i32
      %mul3A_130 = arith.muli %scan3A_23, %mul3A_129 : i32
      %get3A_131 = arith.constant 15 : i32
      %get3A_132 = arith.index_cast %get3A_131 : i32 to index
      %get3A_133 = arith.index_cast %mul3A_130 : i32 to index
      %get3A_134 = tpu.vector_load %arg7[%get3A_132, %get3A_133] {strides = array<i32>} : memref<16x640xf32, #tpu.memory_space<vmem>>, vector<16xf32>,
      %add3A_135 = arith.addf %add3A_128, %get3A_134 : vector<16xf32>
      %bitcast3A = vector.bitcast %add3A_135 : vector<16xf32> to vector<16xi32>
      %shift_right_arithmetic3A = arith.constant 1 : i32
      %shift_right_arithmetic3A_136 = vector.broadcast %shift_right_arithmetic3A : i32 to vector<16xi32>
      %shift_right_arithmetic3A_137 = arith.shrsi %bitcast3A, %shift_right_arithmetic3A_136 : vector<16xi32>
      %sub3A = arith.constant 1597463007 : i32
      %sub3A_138 = vector.broadcast %sub3A : i32 to vector<16xi32>
      %sub3A_139 = arith.subi %sub3A_138, %shift_right_arithmetic3A_137 : vector<16xi32>
      %bitcast3A_140 = vector.bitcast %sub3A_139 : vector<16xi32> to vector<16xf32>
      %mul3A_141 = arith.constant 5.000000e-01 : f32
      %mul3A_142 = vector.broadcast %mul3A_141 : f32 to vector<16xf32>
      %mul3A_143 = arith.mulf %mul3A_142, %add3A_135 : vector<16xf32>
      %mul3A_144 = arith.mulf %mul3A_143, %bitcast3A_140 : vector<16xf32>
      %mul3A_145 = arith.mulf %mul3A_144, %bitcast3A_140 : vector<16xf32>
      %sub3A_146 = arith.constant 1.500000e+00 : f32
      %sub3A_147 = vector.broadcast %sub3A_146 : f32 to vector<16xf32>
      %sub3A_148 = arith.subf %sub3A_147, %mul3A_145 : vector<16xf32>
      %mul3A_149 = arith.mulf %bitcast3A_140, %sub3A_148 : vector<16xf32>
      %mul3A_150 = arith.constant 5.000000e-01 : f32
      %mul3A_151 = vector.broadcast %mul3A_150 : f32 to vector<16xf32>
      %mul3A_152 = arith.mulf %mul3A_151, %add3A_135 : vector<16xf32>
      %mul3A_153 = arith.mulf %mul3A_152, %mul3A_149 : vector<16xf32>
      %mul3A_154 = arith.mulf %mul3A_153, %mul3A_149 : vector<16xf32>
      %sub3A_155 = arith.constant 1.500000e+00 : f32
      %sub3A_156 = vector.broadcast %sub3A_155 : f32 to vector<16xf32>
      %sub3A_157 = arith.subf %sub3A_156, %mul3A_154 : vector<16xf32>
      %mul3A_158 = arith.mulf %mul3A_149, %sub3A_157 : vector<16xf32>
      %mul3A_159 = arith.constant 5.000000e-01 : f32
      %mul3A_160 = vector.broadcast %mul3A_159 : f32 to vector<16xf32>
      %mul3A_161 = arith.mulf %mul3A_160, %add3A_135 : vector<16xf32>
      %mul3A_162 = arith.mulf %mul3A_161, %mul3A_158 : vector<16xf32>
      %mul3A_163 = arith.mulf %mul3A_162, %mul3A_158 : vector<16xf32>
      %sub3A_164 = arith.constant 1.500000e+00 : f32
      %sub3A_165 = vector.broadcast %sub3A_164 : f32 to vector<16xf32>
      %sub3A_166 = arith.subf %sub3A_165, %mul3A_163 : vector<16xf32>
      %mul3A_167 = arith.mulf %mul3A_158, %sub3A_166 : vector<16xf32>
      %mul3A_168 = arith.constant 16 : i32
      %mul3A_169 = arith.muli %scan3A_23, %mul3A_168 : i32
      %swap3A = arith.index_cast %mul3A_169 : i32 to index
      %swap3A_170 = tpu.vector_load %arg6[%swap3A] {strides = array<i32>} : memref<640xf32, #tpu.memory_space<vmem>>, vector<16xf32>,
      tpu.vector_store %arg6[%swap3A], %mul3A_167 {strides = array<i32>} : memref<640xf32, #tpu.memory_space<vmem>>, vector<16xf32>,
    }
    %scan3A_20 = arith.constant 40 : i32
    %eq3A = arith.constant 0 : i32
    %eq3A_21 = arith.cmpi eq, %arg0, %eq3A : i32
    %convert_element_type3A = arith.extui %eq3A_21 : i1 to i32
    %cond3A = arith.constant 0 : i32
    %cond3A_22 = arith.cmpi ne, %convert_element_type3A, %cond3A : i32
    scf.if %cond3A_22 {
      %mul3A_23 = arith.constant 640 : i32
      %mul3A_24 = arith.muli %arg1, %mul3A_23 : i32
      "tpu.region"() ({
        %run_scoped3A = tpu.sem_alloc : memref<!tpu.dma_semaphore, #tpu.memory_space<semaphore_mem>>
        %dma_start3A = tpu.memref_slice %arg3[%mul3A_24] : memref<10240xf32, #tpu.memory_space<hbm>> -> memref<640xf32, #tpu.memory_space<hbm>>
        %dma_start3A_25 = tpu.memref_slice %arg3[%mul3A_24] : memref<10240xf32, #tpu.memory_space<hbm>> -> memref<640xf32, #tpu.memory_space<hbm>>
        tpu.enqueue_dma source(%arg6 : memref<640xf32, #tpu.memory_space<vmem>>) target(%dma_start3A_25 : memref<640xf32, #tpu.memory_space<hbm>>) target_semaphore(%run_scoped3A : memref<!tpu.dma_semaphore, #tpu.memory_space<semaphore_mem>>)
        %dma_wait3A = tpu.memref_slice %arg3[%mul3A_24] : memref<10240xf32, #tpu.memory_space<hbm>> -> memref<640xf32, #tpu.memory_space<hbm>>
        %dma_wait3A_26 = tpu.memref_slice %arg3[%mul3A_24] : memref<10240xf32, #tpu.memory_space<hbm>> -> memref<640xf32, #tpu.memory_space<hbm>>
        tpu.wait_dma2 semaphore(%run_scoped3A : memref<!tpu.dma_semaphore, #tpu.memory_space<semaphore_mem>>) src(%arg6 : memref<640xf32, #tpu.memory_space<vmem>>) dst(%dma_wait3A_26 : memref<640xf32, #tpu.memory_space<hbm>>)
        tpu.yield
      }) : () -> ()
    } else {
    }
    return
  }
}

#map = affine_map<(d0, d1) -> (0, 0)>
#map1 = affine_map<(d0, d1) -> (0, 0, 0)>
module attributes {stable_mosaic.version = 14 : i64} {
  func.func @_scatter_body(%arg0: i32, %arg1: i32, %arg2: memref<10000x128xf32, #tpu.memory_space<hbm>>, %arg3: memref<32x84x120xi32, #tpu.memory_space<hbm>>, %arg4: memref<32x84x120xi32, #tpu.memory_space<hbm>>, %arg5: memref<2x10112x128xf32, #tpu.memory_space<hbm>>, %arg6: memref<8x120xi32, #tpu.memory_space<vmem>>, %arg7: memref<3x120x128xf32, #tpu.memory_space<vmem>>, %arg8: memref<10112x128xf32, #tpu.memory_space<vmem_shared>>, %arg9: memref<4x!tpu.dma_semaphore, #tpu.memory_space<semaphore_mem>>, %arg10: memref<4x!tpu.dma_semaphore, #tpu.memory_space<semaphore_mem>>, %arg11: memref<3x!tpu.dma_semaphore, #tpu.memory_space<semaphore_mem>>) attributes {dimension_semantics = [#tpu.dimension_semantics<core_parallel>, #tpu.dimension_semantics<subcore_parallel>], iteration_bounds = array<i64: 2, 16>, scalar_prefetch = 0 : i64, scratch_operands = 6 : i64, tpu.core_type = #tpu.core_type<sc_vector_subcore>, window_params = [{transform_indices = #map}, {transform_indices = #map1}, {transform_indices = #map1}, {transform_indices = #map1}]} {
    %mul3A = arith.constant 16 : i32
    %mul3A_0 = arith.muli %arg0, %mul3A : i32
    %add3A = arith.addi %mul3A_0, %arg1 : i32
    %scan3A = arith.constant 0 : i32
    %scan3A_1 = arith.constant 0 : i32
    %scan3A_2 = arith.constant 120 : i32
    %scan3A_3 = arith.addi %scan3A_1, %scan3A_2 : i32
    %scan3A_4 = arith.constant 1 : i32
    scf.for %scan3A_211 = %scan3A_1 to %scan3A_3 step %scan3A_4  : i32 {
      %broadcast_in_dim3A = arith.constant 0.000000e+00 : f32
      %broadcast_in_dim3A_212 = vector.broadcast %broadcast_in_dim3A : f32 to vector<16xf32>
      %swap3A = arith.constant 0 : i32
      %swap3A_213 = arith.index_cast %swap3A : i32 to index
      %swap3A_214 = arith.index_cast %scan3A_211 : i32 to index
      %swap3A_215 = arith.constant 0 : index
      %swap3A_216 = tpu.vector_load %arg7[%swap3A_213, %swap3A_214, %swap3A_215] {strides = array<i32>} : memref<3x120x128xf32, #tpu.memory_space<vmem>>, vector<16xf32>,
      tpu.vector_store %arg7[%swap3A_213, %swap3A_214, %swap3A_215], %broadcast_in_dim3A_212 {strides = array<i32>} : memref<3x120x128xf32, #tpu.memory_space<vmem>>, vector<16xf32>,
      %broadcast_in_dim3A_217 = arith.constant 0.000000e+00 : f32
      %broadcast_in_dim3A_218 = vector.broadcast %broadcast_in_dim3A_217 : f32 to vector<16xf32>
      %swap3A_219 = arith.constant 0 : i32
      %swap3A_220 = arith.index_cast %swap3A_219 : i32 to index
      %swap3A_221 = arith.index_cast %scan3A_211 : i32 to index
      %swap3A_222 = arith.constant 16 : index
      %swap3A_223 = tpu.vector_load %arg7[%swap3A_220, %swap3A_221, %swap3A_222] {strides = array<i32>} : memref<3x120x128xf32, #tpu.memory_space<vmem>>, vector<16xf32>,
      tpu.vector_store %arg7[%swap3A_220, %swap3A_221, %swap3A_222], %broadcast_in_dim3A_218 {strides = array<i32>} : memref<3x120x128xf32, #tpu.memory_space<vmem>>, vector<16xf32>,
      %broadcast_in_dim3A_224 = arith.constant 0.000000e+00 : f32
      %broadcast_in_dim3A_225 = vector.broadcast %broadcast_in_dim3A_224 : f32 to vector<16xf32>
      %swap3A_226 = arith.constant 0 : i32
      %swap3A_227 = arith.index_cast %swap3A_226 : i32 to index
      %swap3A_228 = arith.index_cast %scan3A_211 : i32 to index
      %swap3A_229 = arith.constant 32 : index
      %swap3A_230 = tpu.vector_load %arg7[%swap3A_227, %swap3A_228, %swap3A_229] {strides = array<i32>} : memref<3x120x128xf32, #tpu.memory_space<vmem>>, vector<16xf32>,
      tpu.vector_store %arg7[%swap3A_227, %swap3A_228, %swap3A_229], %broadcast_in_dim3A_225 {strides = array<i32>} : memref<3x120x128xf32, #tpu.memory_space<vmem>>, vector<16xf32>,
      %broadcast_in_dim3A_231 = arith.constant 0.000000e+00 : f32
      %broadcast_in_dim3A_232 = vector.broadcast %broadcast_in_dim3A_231 : f32 to vector<16xf32>
      %swap3A_233 = arith.constant 0 : i32
      %swap3A_234 = arith.index_cast %swap3A_233 : i32 to index
      %swap3A_235 = arith.index_cast %scan3A_211 : i32 to index
      %swap3A_236 = arith.constant 48 : index
      %swap3A_237 = tpu.vector_load %arg7[%swap3A_234, %swap3A_235, %swap3A_236] {strides = array<i32>} : memref<3x120x128xf32, #tpu.memory_space<vmem>>, vector<16xf32>,
      tpu.vector_store %arg7[%swap3A_234, %swap3A_235, %swap3A_236], %broadcast_in_dim3A_232 {strides = array<i32>} : memref<3x120x128xf32, #tpu.memory_space<vmem>>, vector<16xf32>,
      %broadcast_in_dim3A_238 = arith.constant 0.000000e+00 : f32
      %broadcast_in_dim3A_239 = vector.broadcast %broadcast_in_dim3A_238 : f32 to vector<16xf32>
      %swap3A_240 = arith.constant 0 : i32
      %swap3A_241 = arith.index_cast %swap3A_240 : i32 to index
      %swap3A_242 = arith.index_cast %scan3A_211 : i32 to index
      %swap3A_243 = arith.constant 64 : index
      %swap3A_244 = tpu.vector_load %arg7[%swap3A_241, %swap3A_242, %swap3A_243] {strides = array<i32>} : memref<3x120x128xf32, #tpu.memory_space<vmem>>, vector<16xf32>,
      tpu.vector_store %arg7[%swap3A_241, %swap3A_242, %swap3A_243], %broadcast_in_dim3A_239 {strides = array<i32>} : memref<3x120x128xf32, #tpu.memory_space<vmem>>, vector<16xf32>,
      %broadcast_in_dim3A_245 = arith.constant 0.000000e+00 : f32
      %broadcast_in_dim3A_246 = vector.broadcast %broadcast_in_dim3A_245 : f32 to vector<16xf32>
      %swap3A_247 = arith.constant 0 : i32
      %swap3A_248 = arith.index_cast %swap3A_247 : i32 to index
      %swap3A_249 = arith.index_cast %scan3A_211 : i32 to index
      %swap3A_250 = arith.constant 80 : index
      %swap3A_251 = tpu.vector_load %arg7[%swap3A_248, %swap3A_249, %swap3A_250] {strides = array<i32>} : memref<3x120x128xf32, #tpu.memory_space<vmem>>, vector<16xf32>,
      tpu.vector_store %arg7[%swap3A_248, %swap3A_249, %swap3A_250], %broadcast_in_dim3A_246 {strides = array<i32>} : memref<3x120x128xf32, #tpu.memory_space<vmem>>, vector<16xf32>,
      %broadcast_in_dim3A_252 = arith.constant 0.000000e+00 : f32
      %broadcast_in_dim3A_253 = vector.broadcast %broadcast_in_dim3A_252 : f32 to vector<16xf32>
      %swap3A_254 = arith.constant 0 : i32
      %swap3A_255 = arith.index_cast %swap3A_254 : i32 to index
      %swap3A_256 = arith.index_cast %scan3A_211 : i32 to index
      %swap3A_257 = arith.constant 96 : index
      %swap3A_258 = tpu.vector_load %arg7[%swap3A_255, %swap3A_256, %swap3A_257] {strides = array<i32>} : memref<3x120x128xf32, #tpu.memory_space<vmem>>, vector<16xf32>,
      tpu.vector_store %arg7[%swap3A_255, %swap3A_256, %swap3A_257], %broadcast_in_dim3A_253 {strides = array<i32>} : memref<3x120x128xf32, #tpu.memory_space<vmem>>, vector<16xf32>,
      %broadcast_in_dim3A_259 = arith.constant 0.000000e+00 : f32
      %broadcast_in_dim3A_260 = vector.broadcast %broadcast_in_dim3A_259 : f32 to vector<16xf32>
      %swap3A_261 = arith.constant 0 : i32
      %swap3A_262 = arith.index_cast %swap3A_261 : i32 to index
      %swap3A_263 = arith.index_cast %scan3A_211 : i32 to index
      %swap3A_264 = arith.constant 112 : index
      %swap3A_265 = tpu.vector_load %arg7[%swap3A_262, %swap3A_263, %swap3A_264] {strides = array<i32>} : memref<3x120x128xf32, #tpu.memory_space<vmem>>, vector<16xf32>,
      tpu.vector_store %arg7[%swap3A_262, %swap3A_263, %swap3A_264], %broadcast_in_dim3A_260 {strides = array<i32>} : memref<3x120x128xf32, #tpu.memory_space<vmem>>, vector<16xf32>,
    }
    %scan3A_5 = arith.constant 120 : i32
    %mul3A_6 = arith.constant 632 : i32
    %mul3A_7 = arith.muli %arg1, %mul3A_6 : i32
    %add3A_8 = arith.constant 0 : i32
    %add3A_9 = arith.addi %mul3A_7, %add3A_8 : i32
    %run_scoped3A = arith.constant 0 : i32
    "tpu.region"() ({
      %run_scoped3A_211 = tpu.sem_alloc : memref<!tpu.dma_semaphore, #tpu.memory_space<semaphore_mem>>
      %dma_start3A_212 = arith.constant 0 : i32
      %dma_start3A_213 = arith.constant 0 : i32
      %dma_start3A_214 = tpu.memref_slice %arg7[%run_scoped3A, %dma_start3A_212, %dma_start3A_213] : memref<3x120x128xf32, #tpu.memory_space<vmem>> -> memref<1x120x128xf32, #tpu.memory_space<vmem>>
      %dma_start3A_215 = tpu.memref_squeeze %dma_start3A_214 : memref<1x120x128xf32, #tpu.memory_space<vmem>> -> memref<120x128xf32, #tpu.memory_space<vmem>>
      %dma_start3A_216 = arith.constant 0 : i32
      %dma_start3A_217 = tpu.memref_slice %arg8[%add3A_9, %dma_start3A_216] : memref<10112x128xf32, #tpu.memory_space<vmem_shared>> -> memref<120x128xf32, #tpu.memory_space<vmem_shared>>
      %dma_start3A_218 = arith.constant 0 : i32
      %dma_start3A_219 = tpu.memref_slice %arg8[%add3A_9, %dma_start3A_218] : memref<10112x128xf32, #tpu.memory_space<vmem_shared>> -> memref<120x128xf32, #tpu.memory_space<vmem_shared>>
      %dma_start3A_220 = arith.constant 0 : i32
      %dma_start3A_221 = arith.constant 0 : i32
      %dma_start3A_222 = tpu.memref_slice %arg7[%run_scoped3A, %dma_start3A_220, %dma_start3A_221] : memref<3x120x128xf32, #tpu.memory_space<vmem>> -> memref<1x120x128xf32, #tpu.memory_space<vmem>>
      %dma_start3A_223 = tpu.memref_squeeze %dma_start3A_222 : memref<1x120x128xf32, #tpu.memory_space<vmem>> -> memref<120x128xf32, #tpu.memory_space<vmem>>
      tpu.enqueue_dma source(%dma_start3A_223 : memref<120x128xf32, #tpu.memory_space<vmem>>) target(%dma_start3A_219 : memref<120x128xf32, #tpu.memory_space<vmem_shared>>) target_semaphore(%run_scoped3A_211 : memref<!tpu.dma_semaphore, #tpu.memory_space<semaphore_mem>>)
      %dma_wait3A_224 = arith.constant 0 : i32
      %dma_wait3A_225 = arith.constant 0 : i32
      %dma_wait3A_226 = tpu.memref_slice %arg7[%run_scoped3A, %dma_wait3A_224, %dma_wait3A_225] : memref<3x120x128xf32, #tpu.memory_space<vmem>> -> memref<1x120x128xf32, #tpu.memory_space<vmem>>
      %dma_wait3A_227 = tpu.memref_squeeze %dma_wait3A_226 : memref<1x120x128xf32, #tpu.memory_space<vmem>> -> memref<120x128xf32, #tpu.memory_space<vmem>>
      %dma_wait3A_228 = arith.constant 0 : i32
      %dma_wait3A_229 = tpu.memref_slice %arg8[%add3A_9, %dma_wait3A_228] : memref<10112x128xf32, #tpu.memory_space<vmem_shared>> -> memref<120x128xf32, #tpu.memory_space<vmem_shared>>
      %dma_wait3A_230 = arith.constant 0 : i32
      %dma_wait3A_231 = tpu.memref_slice %arg8[%add3A_9, %dma_wait3A_230] : memref<10112x128xf32, #tpu.memory_space<vmem_shared>> -> memref<120x128xf32, #tpu.memory_space<vmem_shared>>
      %dma_wait3A_232 = arith.constant 0 : i32
      %dma_wait3A_233 = arith.constant 0 : i32
      %dma_wait3A_234 = tpu.memref_slice %arg7[%run_scoped3A, %dma_wait3A_232, %dma_wait3A_233] : memref<3x120x128xf32, #tpu.memory_space<vmem>> -> memref<1x120x128xf32, #tpu.memory_space<vmem>>
      %dma_wait3A_235 = tpu.memref_squeeze %dma_wait3A_234 : memref<1x120x128xf32, #tpu.memory_space<vmem>> -> memref<120x128xf32, #tpu.memory_space<vmem>>
      tpu.wait_dma2 semaphore(%run_scoped3A_211 : memref<!tpu.dma_semaphore, #tpu.memory_space<semaphore_mem>>) src(%dma_wait3A_235 : memref<120x128xf32, #tpu.memory_space<vmem>>) dst(%dma_wait3A_231 : memref<120x128xf32, #tpu.memory_space<vmem_shared>>)
      tpu.yield
    }) : () -> ()
    %mul3A_10 = arith.constant 632 : i32
    %mul3A_11 = arith.muli %arg1, %mul3A_10 : i32
    %add3A_12 = arith.constant 120 : i32
    %add3A_13 = arith.addi %mul3A_11, %add3A_12 : i32
    %run_scoped3A_14 = arith.constant 0 : i32
    "tpu.region"() ({
      %run_scoped3A_211 = tpu.sem_alloc : memref<!tpu.dma_semaphore, #tpu.memory_space<semaphore_mem>>
      %dma_start3A_212 = arith.constant 0 : i32
      %dma_start3A_213 = arith.constant 0 : i32
      %dma_start3A_214 = tpu.memref_slice %arg7[%run_scoped3A_14, %dma_start3A_212, %dma_start3A_213] : memref<3x120x128xf32, #tpu.memory_space<vmem>> -> memref<1x120x128xf32, #tpu.memory_space<vmem>>
      %dma_start3A_215 = tpu.memref_squeeze %dma_start3A_214 : memref<1x120x128xf32, #tpu.memory_space<vmem>> -> memref<120x128xf32, #tpu.memory_space<vmem>>
      %dma_start3A_216 = arith.constant 0 : i32
      %dma_start3A_217 = tpu.memref_slice %arg8[%add3A_13, %dma_start3A_216] : memref<10112x128xf32, #tpu.memory_space<vmem_shared>> -> memref<120x128xf32, #tpu.memory_space<vmem_shared>>
      %dma_start3A_218 = arith.constant 0 : i32
      %dma_start3A_219 = tpu.memref_slice %arg8[%add3A_13, %dma_start3A_218] : memref<10112x128xf32, #tpu.memory_space<vmem_shared>> -> memref<120x128xf32, #tpu.memory_space<vmem_shared>>
      %dma_start3A_220 = arith.constant 0 : i32
      %dma_start3A_221 = arith.constant 0 : i32
      %dma_start3A_222 = tpu.memref_slice %arg7[%run_scoped3A_14, %dma_start3A_220, %dma_start3A_221] : memref<3x120x128xf32, #tpu.memory_space<vmem>> -> memref<1x120x128xf32, #tpu.memory_space<vmem>>
      %dma_start3A_223 = tpu.memref_squeeze %dma_start3A_222 : memref<1x120x128xf32, #tpu.memory_space<vmem>> -> memref<120x128xf32, #tpu.memory_space<vmem>>
      tpu.enqueue_dma source(%dma_start3A_223 : memref<120x128xf32, #tpu.memory_space<vmem>>) target(%dma_start3A_219 : memref<120x128xf32, #tpu.memory_space<vmem_shared>>) target_semaphore(%run_scoped3A_211 : memref<!tpu.dma_semaphore, #tpu.memory_space<semaphore_mem>>)
      %dma_wait3A_224 = arith.constant 0 : i32
      %dma_wait3A_225 = arith.constant 0 : i32
      %dma_wait3A_226 = tpu.memref_slice %arg7[%run_scoped3A_14, %dma_wait3A_224, %dma_wait3A_225] : memref<3x120x128xf32, #tpu.memory_space<vmem>> -> memref<1x120x128xf32, #tpu.memory_space<vmem>>
      %dma_wait3A_227 = tpu.memref_squeeze %dma_wait3A_226 : memref<1x120x128xf32, #tpu.memory_space<vmem>> -> memref<120x128xf32, #tpu.memory_space<vmem>>
      %dma_wait3A_228 = arith.constant 0 : i32
      %dma_wait3A_229 = tpu.memref_slice %arg8[%add3A_13, %dma_wait3A_228] : memref<10112x128xf32, #tpu.memory_space<vmem_shared>> -> memref<120x128xf32, #tpu.memory_space<vmem_shared>>
      %dma_wait3A_230 = arith.constant 0 : i32
      %dma_wait3A_231 = tpu.memref_slice %arg8[%add3A_13, %dma_wait3A_230] : memref<10112x128xf32, #tpu.memory_space<vmem_shared>> -> memref<120x128xf32, #tpu.memory_space<vmem_shared>>
      %dma_wait3A_232 = arith.constant 0 : i32
      %dma_wait3A_233 = arith.constant 0 : i32
      %dma_wait3A_234 = tpu.memref_slice %arg7[%run_scoped3A_14, %dma_wait3A_232, %dma_wait3A_233] : memref<3x120x128xf32, #tpu.memory_space<vmem>> -> memref<1x120x128xf32, #tpu.memory_space<vmem>>
      %dma_wait3A_235 = tpu.memref_squeeze %dma_wait3A_234 : memref<1x120x128xf32, #tpu.memory_space<vmem>> -> memref<120x128xf32, #tpu.memory_space<vmem>>
      tpu.wait_dma2 semaphore(%run_scoped3A_211 : memref<!tpu.dma_semaphore, #tpu.memory_space<semaphore_mem>>) src(%dma_wait3A_235 : memref<120x128xf32, #tpu.memory_space<vmem>>) dst(%dma_wait3A_231 : memref<120x128xf32, #tpu.memory_space<vmem_shared>>)
      tpu.yield
    }) : () -> ()
    %mul3A_15 = arith.constant 632 : i32
    %mul3A_16 = arith.muli %arg1, %mul3A_15 : i32
    %add3A_17 = arith.constant 240 : i32
    %add3A_18 = arith.addi %mul3A_16, %add3A_17 : i32
    %run_scoped3A_19 = arith.constant 0 : i32
    "tpu.region"() ({
      %run_scoped3A_211 = tpu.sem_alloc : memref<!tpu.dma_semaphore, #tpu.memory_space<semaphore_mem>>
      %dma_start3A_212 = arith.constant 0 : i32
      %dma_start3A_213 = arith.constant 0 : i32
      %dma_start3A_214 = tpu.memref_slice %arg7[%run_scoped3A_19, %dma_start3A_212, %dma_start3A_213] : memref<3x120x128xf32, #tpu.memory_space<vmem>> -> memref<1x120x128xf32, #tpu.memory_space<vmem>>
      %dma_start3A_215 = tpu.memref_squeeze %dma_start3A_214 : memref<1x120x128xf32, #tpu.memory_space<vmem>> -> memref<120x128xf32, #tpu.memory_space<vmem>>
      %dma_start3A_216 = arith.constant 0 : i32
      %dma_start3A_217 = tpu.memref_slice %arg8[%add3A_18, %dma_start3A_216] : memref<10112x128xf32, #tpu.memory_space<vmem_shared>> -> memref<120x128xf32, #tpu.memory_space<vmem_shared>>
      %dma_start3A_218 = arith.constant 0 : i32
      %dma_start3A_219 = tpu.memref_slice %arg8[%add3A_18, %dma_start3A_218] : memref<10112x128xf32, #tpu.memory_space<vmem_shared>> -> memref<120x128xf32, #tpu.memory_space<vmem_shared>>
      %dma_start3A_220 = arith.constant 0 : i32
      %dma_start3A_221 = arith.constant 0 : i32
      %dma_start3A_222 = tpu.memref_slice %arg7[%run_scoped3A_19, %dma_start3A_220, %dma_start3A_221] : memref<3x120x128xf32, #tpu.memory_space<vmem>> -> memref<1x120x128xf32, #tpu.memory_space<vmem>>
      %dma_start3A_223 = tpu.memref_squeeze %dma_start3A_222 : memref<1x120x128xf32, #tpu.memory_space<vmem>> -> memref<120x128xf32, #tpu.memory_space<vmem>>
      tpu.enqueue_dma source(%dma_start3A_223 : memref<120x128xf32, #tpu.memory_space<vmem>>) target(%dma_start3A_219 : memref<120x128xf32, #tpu.memory_space<vmem_shared>>) target_semaphore(%run_scoped3A_211 : memref<!tpu.dma_semaphore, #tpu.memory_space<semaphore_mem>>)
      %dma_wait3A_224 = arith.constant 0 : i32
      %dma_wait3A_225 = arith.constant 0 : i32
      %dma_wait3A_226 = tpu.memref_slice %arg7[%run_scoped3A_19, %dma_wait3A_224, %dma_wait3A_225] : memref<3x120x128xf32, #tpu.memory_space<vmem>> -> memref<1x120x128xf32, #tpu.memory_space<vmem>>
      %dma_wait3A_227 = tpu.memref_squeeze %dma_wait3A_226 : memref<1x120x128xf32, #tpu.memory_space<vmem>> -> memref<120x128xf32, #tpu.memory_space<vmem>>
      %dma_wait3A_228 = arith.constant 0 : i32
      %dma_wait3A_229 = tpu.memref_slice %arg8[%add3A_18, %dma_wait3A_228] : memref<10112x128xf32, #tpu.memory_space<vmem_shared>> -> memref<120x128xf32, #tpu.memory_space<vmem_shared>>
      %dma_wait3A_230 = arith.constant 0 : i32
      %dma_wait3A_231 = tpu.memref_slice %arg8[%add3A_18, %dma_wait3A_230] : memref<10112x128xf32, #tpu.memory_space<vmem_shared>> -> memref<120x128xf32, #tpu.memory_space<vmem_shared>>
      %dma_wait3A_232 = arith.constant 0 : i32
      %dma_wait3A_233 = arith.constant 0 : i32
      %dma_wait3A_234 = tpu.memref_slice %arg7[%run_scoped3A_19, %dma_wait3A_232, %dma_wait3A_233] : memref<3x120x128xf32, #tpu.memory_space<vmem>> -> memref<1x120x128xf32, #tpu.memory_space<vmem>>
      %dma_wait3A_235 = tpu.memref_squeeze %dma_wait3A_234 : memref<1x120x128xf32, #tpu.memory_space<vmem>> -> memref<120x128xf32, #tpu.memory_space<vmem>>
      tpu.wait_dma2 semaphore(%run_scoped3A_211 : memref<!tpu.dma_semaphore, #tpu.memory_space<semaphore_mem>>) src(%dma_wait3A_235 : memref<120x128xf32, #tpu.memory_space<vmem>>) dst(%dma_wait3A_231 : memref<120x128xf32, #tpu.memory_space<vmem_shared>>)
      tpu.yield
    }) : () -> ()
    %mul3A_20 = arith.constant 632 : i32
    %mul3A_21 = arith.muli %arg1, %mul3A_20 : i32
    %add3A_22 = arith.constant 360 : i32
    %add3A_23 = arith.addi %mul3A_21, %add3A_22 : i32
    %run_scoped3A_24 = arith.constant 0 : i32
    "tpu.region"() ({
      %run_scoped3A_211 = tpu.sem_alloc : memref<!tpu.dma_semaphore, #tpu.memory_space<semaphore_mem>>
      %dma_start3A_212 = arith.constant 0 : i32
      %dma_start3A_213 = arith.constant 0 : i32
      %dma_start3A_214 = tpu.memref_slice %arg7[%run_scoped3A_24, %dma_start3A_212, %dma_start3A_213] : memref<3x120x128xf32, #tpu.memory_space<vmem>> -> memref<1x120x128xf32, #tpu.memory_space<vmem>>
      %dma_start3A_215 = tpu.memref_squeeze %dma_start3A_214 : memref<1x120x128xf32, #tpu.memory_space<vmem>> -> memref<120x128xf32, #tpu.memory_space<vmem>>
      %dma_start3A_216 = arith.constant 0 : i32
      %dma_start3A_217 = tpu.memref_slice %arg8[%add3A_23, %dma_start3A_216] : memref<10112x128xf32, #tpu.memory_space<vmem_shared>> -> memref<120x128xf32, #tpu.memory_space<vmem_shared>>
      %dma_start3A_218 = arith.constant 0 : i32
      %dma_start3A_219 = tpu.memref_slice %arg8[%add3A_23, %dma_start3A_218] : memref<10112x128xf32, #tpu.memory_space<vmem_shared>> -> memref<120x128xf32, #tpu.memory_space<vmem_shared>>
      %dma_start3A_220 = arith.constant 0 : i32
      %dma_start3A_221 = arith.constant 0 : i32
      %dma_start3A_222 = tpu.memref_slice %arg7[%run_scoped3A_24, %dma_start3A_220, %dma_start3A_221] : memref<3x120x128xf32, #tpu.memory_space<vmem>> -> memref<1x120x128xf32, #tpu.memory_space<vmem>>
      %dma_start3A_223 = tpu.memref_squeeze %dma_start3A_222 : memref<1x120x128xf32, #tpu.memory_space<vmem>> -> memref<120x128xf32, #tpu.memory_space<vmem>>
      tpu.enqueue_dma source(%dma_start3A_223 : memref<120x128xf32, #tpu.memory_space<vmem>>) target(%dma_start3A_219 : memref<120x128xf32, #tpu.memory_space<vmem_shared>>) target_semaphore(%run_scoped3A_211 : memref<!tpu.dma_semaphore, #tpu.memory_space<semaphore_mem>>)
      %dma_wait3A_224 = arith.constant 0 : i32
      %dma_wait3A_225 = arith.constant 0 : i32
      %dma_wait3A_226 = tpu.memref_slice %arg7[%run_scoped3A_24, %dma_wait3A_224, %dma_wait3A_225] : memref<3x120x128xf32, #tpu.memory_space<vmem>> -> memref<1x120x128xf32, #tpu.memory_space<vmem>>
      %dma_wait3A_227 = tpu.memref_squeeze %dma_wait3A_226 : memref<1x120x128xf32, #tpu.memory_space<vmem>> -> memref<120x128xf32, #tpu.memory_space<vmem>>
      %dma_wait3A_228 = arith.constant 0 : i32
      %dma_wait3A_229 = tpu.memref_slice %arg8[%add3A_23, %dma_wait3A_228] : memref<10112x128xf32, #tpu.memory_space<vmem_shared>> -> memref<120x128xf32, #tpu.memory_space<vmem_shared>>
      %dma_wait3A_230 = arith.constant 0 : i32
      %dma_wait3A_231 = tpu.memref_slice %arg8[%add3A_23, %dma_wait3A_230] : memref<10112x128xf32, #tpu.memory_space<vmem_shared>> -> memref<120x128xf32, #tpu.memory_space<vmem_shared>>
      %dma_wait3A_232 = arith.constant 0 : i32
      %dma_wait3A_233 = arith.constant 0 : i32
      %dma_wait3A_234 = tpu.memref_slice %arg7[%run_scoped3A_24, %dma_wait3A_232, %dma_wait3A_233] : memref<3x120x128xf32, #tpu.memory_space<vmem>> -> memref<1x120x128xf32, #tpu.memory_space<vmem>>
      %dma_wait3A_235 = tpu.memref_squeeze %dma_wait3A_234 : memref<1x120x128xf32, #tpu.memory_space<vmem>> -> memref<120x128xf32, #tpu.memory_space<vmem>>
      tpu.wait_dma2 semaphore(%run_scoped3A_211 : memref<!tpu.dma_semaphore, #tpu.memory_space<semaphore_mem>>) src(%dma_wait3A_235 : memref<120x128xf32, #tpu.memory_space<vmem>>) dst(%dma_wait3A_231 : memref<120x128xf32, #tpu.memory_space<vmem_shared>>)
      tpu.yield
    }) : () -> ()
    %mul3A_25 = arith.constant 632 : i32
    %mul3A_26 = arith.muli %arg1, %mul3A_25 : i32
    %add3A_27 = arith.constant 480 : i32
    %add3A_28 = arith.addi %mul3A_26, %add3A_27 : i32
    %run_scoped3A_29 = arith.constant 0 : i32
    "tpu.region"() ({
      %run_scoped3A_211 = tpu.sem_alloc : memref<!tpu.dma_semaphore, #tpu.memory_space<semaphore_mem>>
      %dma_start3A_212 = arith.constant 0 : i32
      %dma_start3A_213 = arith.constant 0 : i32
      %dma_start3A_214 = tpu.memref_slice %arg7[%run_scoped3A_29, %dma_start3A_212, %dma_start3A_213] : memref<3x120x128xf32, #tpu.memory_space<vmem>> -> memref<1x120x128xf32, #tpu.memory_space<vmem>>
      %dma_start3A_215 = tpu.memref_squeeze %dma_start3A_214 : memref<1x120x128xf32, #tpu.memory_space<vmem>> -> memref<120x128xf32, #tpu.memory_space<vmem>>
      %dma_start3A_216 = arith.constant 0 : i32
      %dma_start3A_217 = tpu.memref_slice %arg8[%add3A_28, %dma_start3A_216] : memref<10112x128xf32, #tpu.memory_space<vmem_shared>> -> memref<120x128xf32, #tpu.memory_space<vmem_shared>>
      %dma_start3A_218 = arith.constant 0 : i32
      %dma_start3A_219 = tpu.memref_slice %arg8[%add3A_28, %dma_start3A_218] : memref<10112x128xf32, #tpu.memory_space<vmem_shared>> -> memref<120x128xf32, #tpu.memory_space<vmem_shared>>
      %dma_start3A_220 = arith.constant 0 : i32
      %dma_start3A_221 = arith.constant 0 : i32
      %dma_start3A_222 = tpu.memref_slice %arg7[%run_scoped3A_29, %dma_start3A_220, %dma_start3A_221] : memref<3x120x128xf32, #tpu.memory_space<vmem>> -> memref<1x120x128xf32, #tpu.memory_space<vmem>>
      %dma_start3A_223 = tpu.memref_squeeze %dma_start3A_222 : memref<1x120x128xf32, #tpu.memory_space<vmem>> -> memref<120x128xf32, #tpu.memory_space<vmem>>
      tpu.enqueue_dma source(%dma_start3A_223 : memref<120x128xf32, #tpu.memory_space<vmem>>) target(%dma_start3A_219 : memref<120x128xf32, #tpu.memory_space<vmem_shared>>) target_semaphore(%run_scoped3A_211 : memref<!tpu.dma_semaphore, #tpu.memory_space<semaphore_mem>>)
      %dma_wait3A_224 = arith.constant 0 : i32
      %dma_wait3A_225 = arith.constant 0 : i32
      %dma_wait3A_226 = tpu.memref_slice %arg7[%run_scoped3A_29, %dma_wait3A_224, %dma_wait3A_225] : memref<3x120x128xf32, #tpu.memory_space<vmem>> -> memref<1x120x128xf32, #tpu.memory_space<vmem>>
      %dma_wait3A_227 = tpu.memref_squeeze %dma_wait3A_226 : memref<1x120x128xf32, #tpu.memory_space<vmem>> -> memref<120x128xf32, #tpu.memory_space<vmem>>
      %dma_wait3A_228 = arith.constant 0 : i32
      %dma_wait3A_229 = tpu.memref_slice %arg8[%add3A_28, %dma_wait3A_228] : memref<10112x128xf32, #tpu.memory_space<vmem_shared>> -> memref<120x128xf32, #tpu.memory_space<vmem_shared>>
      %dma_wait3A_230 = arith.constant 0 : i32
      %dma_wait3A_231 = tpu.memref_slice %arg8[%add3A_28, %dma_wait3A_230] : memref<10112x128xf32, #tpu.memory_space<vmem_shared>> -> memref<120x128xf32, #tpu.memory_space<vmem_shared>>
      %dma_wait3A_232 = arith.constant 0 : i32
      %dma_wait3A_233 = arith.constant 0 : i32
      %dma_wait3A_234 = tpu.memref_slice %arg7[%run_scoped3A_29, %dma_wait3A_232, %dma_wait3A_233] : memref<3x120x128xf32, #tpu.memory_space<vmem>> -> memref<1x120x128xf32, #tpu.memory_space<vmem>>
      %dma_wait3A_235 = tpu.memref_squeeze %dma_wait3A_234 : memref<1x120x128xf32, #tpu.memory_space<vmem>> -> memref<120x128xf32, #tpu.memory_space<vmem>>
      tpu.wait_dma2 semaphore(%run_scoped3A_211 : memref<!tpu.dma_semaphore, #tpu.memory_space<semaphore_mem>>) src(%dma_wait3A_235 : memref<120x128xf32, #tpu.memory_space<vmem>>) dst(%dma_wait3A_231 : memref<120x128xf32, #tpu.memory_space<vmem_shared>>)
      tpu.yield
    }) : () -> ()
    %mul3A_30 = arith.constant 632 : i32
    %mul3A_31 = arith.muli %arg1, %mul3A_30 : i32
    %add3A_32 = arith.constant 632 : i32
    %add3A_33 = arith.addi %mul3A_31, %add3A_32 : i32
    %sub3A = arith.constant 32 : i32
    %sub3A_34 = arith.subi %add3A_33, %sub3A : i32
    %run_scoped3A_35 = arith.constant 0 : i32
    "tpu.region"() ({
      %run_scoped3A_211 = tpu.sem_alloc : memref<!tpu.dma_semaphore, #tpu.memory_space<semaphore_mem>>
      %dma_start3A_212 = arith.constant 0 : i32
      %dma_start3A_213 = arith.constant 0 : i32
      %dma_start3A_214 = tpu.memref_slice %arg7[%run_scoped3A_35, %dma_start3A_212, %dma_start3A_213] : memref<3x120x128xf32, #tpu.memory_space<vmem>> -> memref<1x32x128xf32, #tpu.memory_space<vmem>>
      %dma_start3A_215 = tpu.memref_squeeze %dma_start3A_214 : memref<1x32x128xf32, #tpu.memory_space<vmem>> -> memref<32x128xf32, #tpu.memory_space<vmem>>
      %dma_start3A_216 = arith.constant 0 : i32
      %dma_start3A_217 = tpu.memref_slice %arg8[%sub3A_34, %dma_start3A_216] : memref<10112x128xf32, #tpu.memory_space<vmem_shared>> -> memref<32x128xf32, #tpu.memory_space<vmem_shared>>
      %dma_start3A_218 = arith.constant 0 : i32
      %dma_start3A_219 = tpu.memref_slice %arg8[%sub3A_34, %dma_start3A_218] : memref<10112x128xf32, #tpu.memory_space<vmem_shared>> -> memref<32x128xf32, #tpu.memory_space<vmem_shared>>
      %dma_start3A_220 = arith.constant 0 : i32
      %dma_start3A_221 = arith.constant 0 : i32
      %dma_start3A_222 = tpu.memref_slice %arg7[%run_scoped3A_35, %dma_start3A_220, %dma_start3A_221] : memref<3x120x128xf32, #tpu.memory_space<vmem>> -> memref<1x32x128xf32, #tpu.memory_space<vmem>>
      %dma_start3A_223 = tpu.memref_squeeze %dma_start3A_222 : memref<1x32x128xf32, #tpu.memory_space<vmem>> -> memref<32x128xf32, #tpu.memory_space<vmem>>
      tpu.enqueue_dma source(%dma_start3A_223 : memref<32x128xf32, #tpu.memory_space<vmem>>) target(%dma_start3A_219 : memref<32x128xf32, #tpu.memory_space<vmem_shared>>) target_semaphore(%run_scoped3A_211 : memref<!tpu.dma_semaphore, #tpu.memory_space<semaphore_mem>>)
      %dma_wait3A_224 = arith.constant 0 : i32
      %dma_wait3A_225 = arith.constant 0 : i32
      %dma_wait3A_226 = tpu.memref_slice %arg7[%run_scoped3A_35, %dma_wait3A_224, %dma_wait3A_225] : memref<3x120x128xf32, #tpu.memory_space<vmem>> -> memref<1x32x128xf32, #tpu.memory_space<vmem>>
      %dma_wait3A_227 = tpu.memref_squeeze %dma_wait3A_226 : memref<1x32x128xf32, #tpu.memory_space<vmem>> -> memref<32x128xf32, #tpu.memory_space<vmem>>
      %dma_wait3A_228 = arith.constant 0 : i32
      %dma_wait3A_229 = tpu.memref_slice %arg8[%sub3A_34, %dma_wait3A_228] : memref<10112x128xf32, #tpu.memory_space<vmem_shared>> -> memref<32x128xf32, #tpu.memory_space<vmem_shared>>
      %dma_wait3A_230 = arith.constant 0 : i32
      %dma_wait3A_231 = tpu.memref_slice %arg8[%sub3A_34, %dma_wait3A_230] : memref<10112x128xf32, #tpu.memory_space<vmem_shared>> -> memref<32x128xf32, #tpu.memory_space<vmem_shared>>
      %dma_wait3A_232 = arith.constant 0 : i32
      %dma_wait3A_233 = arith.constant 0 : i32
      %dma_wait3A_234 = tpu.memref_slice %arg7[%run_scoped3A_35, %dma_wait3A_232, %dma_wait3A_233] : memref<3x120x128xf32, #tpu.memory_space<vmem>> -> memref<1x32x128xf32, #tpu.memory_space<vmem>>
      %dma_wait3A_235 = tpu.memref_squeeze %dma_wait3A_234 : memref<1x32x128xf32, #tpu.memory_space<vmem>> -> memref<32x128xf32, #tpu.memory_space<vmem>>
      tpu.wait_dma2 semaphore(%run_scoped3A_211 : memref<!tpu.dma_semaphore, #tpu.memory_space<semaphore_mem>>) src(%dma_wait3A_235 : memref<32x128xf32, #tpu.memory_space<vmem>>) dst(%dma_wait3A_231 : memref<32x128xf32, #tpu.memory_space<vmem_shared>>)
      tpu.yield
    }) : () -> ()
    %barrier3A = arith.constant 0 : index
    tpu.barrier barrier_id(%barrier3A)
    %dma_start3A = arith.constant 0 : i32
    %dma_start3A_36 = arith.constant 0 : i32
    %dma_start3A_37 = arith.constant 0 : i32
    %dma_start3A_38 = arith.constant 0 : i32
    %dma_start3A_39 = tpu.memref_slice %arg6[%dma_start3A_36, %dma_start3A_38] : memref<8x120xi32, #tpu.memory_space<vmem>> -> memref<1x120xi32, #tpu.memory_space<vmem>>
    %dma_start3A_40 = tpu.memref_squeeze %dma_start3A_39 : memref<1x120xi32, #tpu.memory_space<vmem>> -> memref<120xi32, #tpu.memory_space<vmem>>
    %dma_start3A_41 = arith.constant 0 : i32
    %dma_start3A_42 = tpu.memref_slice %arg4[%add3A, %dma_start3A, %dma_start3A_41] : memref<32x84x120xi32, #tpu.memory_space<hbm>> -> memref<1x1x120xi32, #tpu.memory_space<hbm>>
    %dma_start3A_43 = tpu.memref_squeeze %dma_start3A_42 : memref<1x1x120xi32, #tpu.memory_space<hbm>> -> memref<120xi32, #tpu.memory_space<hbm>>
    %dma_start3A_44 = tpu.memref_slice %arg9[%dma_start3A_37] : memref<4x!tpu.dma_semaphore, #tpu.memory_space<semaphore_mem>> -> memref<1x!tpu.dma_semaphore, #tpu.memory_space<semaphore_mem>>
    %dma_start3A_45 = tpu.memref_squeeze %dma_start3A_44 : memref<1x!tpu.dma_semaphore, #tpu.memory_space<semaphore_mem>> -> memref<!tpu.dma_semaphore, #tpu.memory_space<semaphore_mem>>
    %dma_start3A_46 = arith.constant 0 : i32
    %dma_start3A_47 = tpu.memref_slice %arg6[%dma_start3A_36, %dma_start3A_46] : memref<8x120xi32, #tpu.memory_space<vmem>> -> memref<1x120xi32, #tpu.memory_space<vmem>>
    %dma_start3A_48 = tpu.memref_squeeze %dma_start3A_47 : memref<1x120xi32, #tpu.memory_space<vmem>> -> memref<120xi32, #tpu.memory_space<vmem>>
    %dma_start3A_49 = arith.constant 0 : i32
    %dma_start3A_50 = tpu.memref_slice %arg4[%add3A, %dma_start3A, %dma_start3A_49] : memref<32x84x120xi32, #tpu.memory_space<hbm>> -> memref<1x1x120xi32, #tpu.memory_space<hbm>>
    %dma_start3A_51 = tpu.memref_squeeze %dma_start3A_50 : memref<1x1x120xi32, #tpu.memory_space<hbm>> -> memref<120xi32, #tpu.memory_space<hbm>>
    tpu.enqueue_dma source(%dma_start3A_51 : memref<120xi32, #tpu.memory_space<hbm>>) target(%dma_start3A_48 : memref<120xi32, #tpu.memory_space<vmem>>) target_semaphore(%dma_start3A_45 : memref<!tpu.dma_semaphore, #tpu.memory_space<semaphore_mem>>)
    %dma_start3A_52 = arith.constant 0 : i32
    %dma_start3A_53 = arith.constant 4 : i32
    %dma_start3A_54 = arith.constant 0 : i32
    %dma_start3A_55 = arith.constant 0 : i32
    %dma_start3A_56 = tpu.memref_slice %arg6[%dma_start3A_53, %dma_start3A_55] : memref<8x120xi32, #tpu.memory_space<vmem>> -> memref<1x120xi32, #tpu.memory_space<vmem>>
    %dma_start3A_57 = tpu.memref_squeeze %dma_start3A_56 : memref<1x120xi32, #tpu.memory_space<vmem>> -> memref<120xi32, #tpu.memory_space<vmem>>
    %dma_start3A_58 = arith.constant 0 : i32
    %dma_start3A_59 = tpu.memref_slice %arg3[%add3A, %dma_start3A_52, %dma_start3A_58] : memref<32x84x120xi32, #tpu.memory_space<hbm>> -> memref<1x1x120xi32, #tpu.memory_space<hbm>>
    %dma_start3A_60 = tpu.memref_squeeze %dma_start3A_59 : memref<1x1x120xi32, #tpu.memory_space<hbm>> -> memref<120xi32, #tpu.memory_space<hbm>>
    %dma_start3A_61 = tpu.memref_slice %arg10[%dma_start3A_54] : memref<4x!tpu.dma_semaphore, #tpu.memory_space<semaphore_mem>> -> memref<1x!tpu.dma_semaphore, #tpu.memory_space<semaphore_mem>>
    %dma_start3A_62 = tpu.memref_squeeze %dma_start3A_61 : memref<1x!tpu.dma_semaphore, #tpu.memory_space<semaphore_mem>> -> memref<!tpu.dma_semaphore, #tpu.memory_space<semaphore_mem>>
    %dma_start3A_63 = arith.constant 0 : i32
    %dma_start3A_64 = tpu.memref_slice %arg6[%dma_start3A_53, %dma_start3A_63] : memref<8x120xi32, #tpu.memory_space<vmem>> -> memref<1x120xi32, #tpu.memory_space<vmem>>
    %dma_start3A_65 = tpu.memref_squeeze %dma_start3A_64 : memref<1x120xi32, #tpu.memory_space<vmem>> -> memref<120xi32, #tpu.memory_space<vmem>>
    %dma_start3A_66 = arith.constant 0 : i32
    %dma_start3A_67 = tpu.memref_slice %arg3[%add3A, %dma_start3A_52, %dma_start3A_66] : memref<32x84x120xi32, #tpu.memory_space<hbm>> -> memref<1x1x120xi32, #tpu.memory_space<hbm>>
    %dma_start3A_68 = tpu.memref_squeeze %dma_start3A_67 : memref<1x1x120xi32, #tpu.memory_space<hbm>> -> memref<120xi32, #tpu.memory_space<hbm>>
    tpu.enqueue_dma source(%dma_start3A_68 : memref<120xi32, #tpu.memory_space<hbm>>) target(%dma_start3A_65 : memref<120xi32, #tpu.memory_space<vmem>>) target_semaphore(%dma_start3A_62 : memref<!tpu.dma_semaphore, #tpu.memory_space<semaphore_mem>>)
    %dma_start3A_69 = arith.constant 1 : i32
    %dma_start3A_70 = arith.constant 1 : i32
    %dma_start3A_71 = arith.constant 1 : i32
    %dma_start3A_72 = arith.constant 0 : i32
    %dma_start3A_73 = tpu.memref_slice %arg6[%dma_start3A_70, %dma_start3A_72] : memref<8x120xi32, #tpu.memory_space<vmem>> -> memref<1x120xi32, #tpu.memory_space<vmem>>
    %dma_start3A_74 = tpu.memref_squeeze %dma_start3A_73 : memref<1x120xi32, #tpu.memory_space<vmem>> -> memref<120xi32, #tpu.memory_space<vmem>>
    %dma_start3A_75 = arith.constant 0 : i32
    %dma_start3A_76 = tpu.memref_slice %arg4[%add3A, %dma_start3A_69, %dma_start3A_75] : memref<32x84x120xi32, #tpu.memory_space<hbm>> -> memref<1x1x120xi32, #tpu.memory_space<hbm>>
    %dma_start3A_77 = tpu.memref_squeeze %dma_start3A_76 : memref<1x1x120xi32, #tpu.memory_space<hbm>> -> memref<120xi32, #tpu.memory_space<hbm>>
    %dma_start3A_78 = tpu.memref_slice %arg9[%dma_start3A_71] : memref<4x!tpu.dma_semaphore, #tpu.memory_space<semaphore_mem>> -> memref<1x!tpu.dma_semaphore, #tpu.memory_space<semaphore_mem>>
    %dma_start3A_79 = tpu.memref_squeeze %dma_start3A_78 : memref<1x!tpu.dma_semaphore, #tpu.memory_space<semaphore_mem>> -> memref<!tpu.dma_semaphore, #tpu.memory_space<semaphore_mem>>
    %dma_start3A_80 = arith.constant 0 : i32
    %dma_start3A_81 = tpu.memref_slice %arg6[%dma_start3A_70, %dma_start3A_80] : memref<8x120xi32, #tpu.memory_space<vmem>> -> memref<1x120xi32, #tpu.memory_space<vmem>>
    %dma_start3A_82 = tpu.memref_squeeze %dma_start3A_81 : memref<1x120xi32, #tpu.memory_space<vmem>> -> memref<120xi32, #tpu.memory_space<vmem>>
    %dma_start3A_83 = arith.constant 0 : i32
    %dma_start3A_84 = tpu.memref_slice %arg4[%add3A, %dma_start3A_69, %dma_start3A_83] : memref<32x84x120xi32, #tpu.memory_space<hbm>> -> memref<1x1x120xi32, #tpu.memory_space<hbm>>
    %dma_start3A_85 = tpu.memref_squeeze %dma_start3A_84 : memref<1x1x120xi32, #tpu.memory_space<hbm>> -> memref<120xi32, #tpu.memory_space<hbm>>
    tpu.enqueue_dma source(%dma_start3A_85 : memref<120xi32, #tpu.memory_space<hbm>>) target(%dma_start3A_82 : memref<120xi32, #tpu.memory_space<vmem>>) target_semaphore(%dma_start3A_79 : memref<!tpu.dma_semaphore, #tpu.memory_space<semaphore_mem>>)
    %dma_start3A_86 = arith.constant 1 : i32
    %dma_start3A_87 = arith.constant 5 : i32
    %dma_start3A_88 = arith.constant 1 : i32
    %dma_start3A_89 = arith.constant 0 : i32
    %dma_start3A_90 = tpu.memref_slice %arg6[%dma_start3A_87, %dma_start3A_89] : memref<8x120xi32, #tpu.memory_space<vmem>> -> memref<1x120xi32, #tpu.memory_space<vmem>>
    %dma_start3A_91 = tpu.memref_squeeze %dma_start3A_90 : memref<1x120xi32, #tpu.memory_space<vmem>> -> memref<120xi32, #tpu.memory_space<vmem>>
    %dma_start3A_92 = arith.constant 0 : i32
    %dma_start3A_93 = tpu.memref_slice %arg3[%add3A, %dma_start3A_86, %dma_start3A_92] : memref<32x84x120xi32, #tpu.memory_space<hbm>> -> memref<1x1x120xi32, #tpu.memory_space<hbm>>
    %dma_start3A_94 = tpu.memref_squeeze %dma_start3A_93 : memref<1x1x120xi32, #tpu.memory_space<hbm>> -> memref<120xi32, #tpu.memory_space<hbm>>
    %dma_start3A_95 = tpu.memref_slice %arg10[%dma_start3A_88] : memref<4x!tpu.dma_semaphore, #tpu.memory_space<semaphore_mem>> -> memref<1x!tpu.dma_semaphore, #tpu.memory_space<semaphore_mem>>
    %dma_start3A_96 = tpu.memref_squeeze %dma_start3A_95 : memref<1x!tpu.dma_semaphore, #tpu.memory_space<semaphore_mem>> -> memref<!tpu.dma_semaphore, #tpu.memory_space<semaphore_mem>>
    %dma_start3A_97 = arith.constant 0 : i32
    %dma_start3A_98 = tpu.memref_slice %arg6[%dma_start3A_87, %dma_start3A_97] : memref<8x120xi32, #tpu.memory_space<vmem>> -> memref<1x120xi32, #tpu.memory_space<vmem>>
    %dma_start3A_99 = tpu.memref_squeeze %dma_start3A_98 : memref<1x120xi32, #tpu.memory_space<vmem>> -> memref<120xi32, #tpu.memory_space<vmem>>
    %dma_start3A_100 = arith.constant 0 : i32
    %dma_start3A_101 = tpu.memref_slice %arg3[%add3A, %dma_start3A_86, %dma_start3A_100] : memref<32x84x120xi32, #tpu.memory_space<hbm>> -> memref<1x1x120xi32, #tpu.memory_space<hbm>>
    %dma_start3A_102 = tpu.memref_squeeze %dma_start3A_101 : memref<1x1x120xi32, #tpu.memory_space<hbm>> -> memref<120xi32, #tpu.memory_space<hbm>>
    tpu.enqueue_dma source(%dma_start3A_102 : memref<120xi32, #tpu.memory_space<hbm>>) target(%dma_start3A_99 : memref<120xi32, #tpu.memory_space<vmem>>) target_semaphore(%dma_start3A_96 : memref<!tpu.dma_semaphore, #tpu.memory_space<semaphore_mem>>)
    %dma_start3A_103 = arith.constant 2 : i32
    %dma_start3A_104 = arith.constant 2 : i32
    %dma_start3A_105 = arith.constant 2 : i32
    %dma_start3A_106 = arith.constant 0 : i32
    %dma_start3A_107 = tpu.memref_slice %arg6[%dma_start3A_104, %dma_start3A_106] : memref<8x120xi32, #tpu.memory_space<vmem>> -> memref<1x120xi32, #tpu.memory_space<vmem>>
    %dma_start3A_108 = tpu.memref_squeeze %dma_start3A_107 : memref<1x120xi32, #tpu.memory_space<vmem>> -> memref<120xi32, #tpu.memory_space<vmem>>
    %dma_start3A_109 = arith.constant 0 : i32
    %dma_start3A_110 = tpu.memref_slice %arg4[%add3A, %dma_start3A_103, %dma_start3A_109] : memref<32x84x120xi32, #tpu.memory_space<hbm>> -> memref<1x1x120xi32, #tpu.memory_space<hbm>>
    %dma_start3A_111 = tpu.memref_squeeze %dma_start3A_110 : memref<1x1x120xi32, #tpu.memory_space<hbm>> -> memref<120xi32, #tpu.memory_space<hbm>>
    %dma_start3A_112 = tpu.memref_slice %arg9[%dma_start3A_105] : memref<4x!tpu.dma_semaphore, #tpu.memory_space<semaphore_mem>> -> memref<1x!tpu.dma_semaphore, #tpu.memory_space<semaphore_mem>>
    %dma_start3A_113 = tpu.memref_squeeze %dma_start3A_112 : memref<1x!tpu.dma_semaphore, #tpu.memory_space<semaphore_mem>> -> memref<!tpu.dma_semaphore, #tpu.memory_space<semaphore_mem>>
    %dma_start3A_114 = arith.constant 0 : i32
    %dma_start3A_115 = tpu.memref_slice %arg6[%dma_start3A_104, %dma_start3A_114] : memref<8x120xi32, #tpu.memory_space<vmem>> -> memref<1x120xi32, #tpu.memory_space<vmem>>
    %dma_start3A_116 = tpu.memref_squeeze %dma_start3A_115 : memref<1x120xi32, #tpu.memory_space<vmem>> -> memref<120xi32, #tpu.memory_space<vmem>>
    %dma_start3A_117 = arith.constant 0 : i32
    %dma_start3A_118 = tpu.memref_slice %arg4[%add3A, %dma_start3A_103, %dma_start3A_117] : memref<32x84x120xi32, #tpu.memory_space<hbm>> -> memref<1x1x120xi32, #tpu.memory_space<hbm>>
    %dma_start3A_119 = tpu.memref_squeeze %dma_start3A_118 : memref<1x1x120xi32, #tpu.memory_space<hbm>> -> memref<120xi32, #tpu.memory_space<hbm>>
    tpu.enqueue_dma source(%dma_start3A_119 : memref<120xi32, #tpu.memory_space<hbm>>) target(%dma_start3A_116 : memref<120xi32, #tpu.memory_space<vmem>>) target_semaphore(%dma_start3A_113 : memref<!tpu.dma_semaphore, #tpu.memory_space<semaphore_mem>>)
    %dma_start3A_120 = arith.constant 2 : i32
    %dma_start3A_121 = arith.constant 6 : i32
    %dma_start3A_122 = arith.constant 2 : i32
    %dma_start3A_123 = arith.constant 0 : i32
    %dma_start3A_124 = tpu.memref_slice %arg6[%dma_start3A_121, %dma_start3A_123] : memref<8x120xi32, #tpu.memory_space<vmem>> -> memref<1x120xi32, #tpu.memory_space<vmem>>
    %dma_start3A_125 = tpu.memref_squeeze %dma_start3A_124 : memref<1x120xi32, #tpu.memory_space<vmem>> -> memref<120xi32, #tpu.memory_space<vmem>>
    %dma_start3A_126 = arith.constant 0 : i32
    %dma_start3A_127 = tpu.memref_slice %arg3[%add3A, %dma_start3A_120, %dma_start3A_126] : memref<32x84x120xi32, #tpu.memory_space<hbm>> -> memref<1x1x120xi32, #tpu.memory_space<hbm>>
    %dma_start3A_128 = tpu.memref_squeeze %dma_start3A_127 : memref<1x1x120xi32, #tpu.memory_space<hbm>> -> memref<120xi32, #tpu.memory_space<hbm>>
    %dma_start3A_129 = tpu.memref_slice %arg10[%dma_start3A_122] : memref<4x!tpu.dma_semaphore, #tpu.memory_space<semaphore_mem>> -> memref<1x!tpu.dma_semaphore, #tpu.memory_space<semaphore_mem>>
    %dma_start3A_130 = tpu.memref_squeeze %dma_start3A_129 : memref<1x!tpu.dma_semaphore, #tpu.memory_space<semaphore_mem>> -> memref<!tpu.dma_semaphore, #tpu.memory_space<semaphore_mem>>
    %dma_start3A_131 = arith.constant 0 : i32
    %dma_start3A_132 = tpu.memref_slice %arg6[%dma_start3A_121, %dma_start3A_131] : memref<8x120xi32, #tpu.memory_space<vmem>> -> memref<1x120xi32, #tpu.memory_space<vmem>>
    %dma_start3A_133 = tpu.memref_squeeze %dma_start3A_132 : memref<1x120xi32, #tpu.memory_space<vmem>> -> memref<120xi32, #tpu.memory_space<vmem>>
    %dma_start3A_134 = arith.constant 0 : i32
    %dma_start3A_135 = tpu.memref_slice %arg3[%add3A, %dma_start3A_120, %dma_start3A_134] : memref<32x84x120xi32, #tpu.memory_space<hbm>> -> memref<1x1x120xi32, #tpu.memory_space<hbm>>
    %dma_start3A_136 = tpu.memref_squeeze %dma_start3A_135 : memref<1x1x120xi32, #tpu.memory_space<hbm>> -> memref<120xi32, #tpu.memory_space<hbm>>
    tpu.enqueue_dma source(%dma_start3A_136 : memref<120xi32, #tpu.memory_space<hbm>>) target(%dma_start3A_133 : memref<120xi32, #tpu.memory_space<vmem>>) target_semaphore(%dma_start3A_130 : memref<!tpu.dma_semaphore, #tpu.memory_space<semaphore_mem>>)
    %dma_wait3A = arith.constant 0 : i32
    %dma_wait3A_137 = arith.constant 0 : i32
    %dma_wait3A_138 = arith.constant 0 : i32
    %dma_wait3A_139 = arith.constant 0 : i32
    %dma_wait3A_140 = tpu.memref_slice %arg6[%dma_wait3A_137, %dma_wait3A_139] : memref<8x120xi32, #tpu.memory_space<vmem>> -> memref<1x120xi32, #tpu.memory_space<vmem>>
    %dma_wait3A_141 = tpu.memref_squeeze %dma_wait3A_140 : memref<1x120xi32, #tpu.memory_space<vmem>> -> memref<120xi32, #tpu.memory_space<vmem>>
    %dma_wait3A_142 = arith.constant 0 : i32
    %dma_wait3A_143 = tpu.memref_slice %arg4[%add3A, %dma_wait3A, %dma_wait3A_142] : memref<32x84x120xi32, #tpu.memory_space<hbm>> -> memref<1x1x120xi32, #tpu.memory_space<hbm>>
    %dma_wait3A_144 = tpu.memref_squeeze %dma_wait3A_143 : memref<1x1x120xi32, #tpu.memory_space<hbm>> -> memref<120xi32, #tpu.memory_space<hbm>>
    %dma_wait3A_145 = tpu.memref_slice %arg9[%dma_wait3A_138] : memref<4x!tpu.dma_semaphore, #tpu.memory_space<semaphore_mem>> -> memref<1x!tpu.dma_semaphore, #tpu.memory_space<semaphore_mem>>
    %dma_wait3A_146 = tpu.memref_squeeze %dma_wait3A_145 : memref<1x!tpu.dma_semaphore, #tpu.memory_space<semaphore_mem>> -> memref<!tpu.dma_semaphore, #tpu.memory_space<semaphore_mem>>
    %dma_wait3A_147 = arith.constant 0 : i32
    %dma_wait3A_148 = tpu.memref_slice %arg6[%dma_wait3A_137, %dma_wait3A_147] : memref<8x120xi32, #tpu.memory_space<vmem>> -> memref<1x120xi32, #tpu.memory_space<vmem>>
    %dma_wait3A_149 = tpu.memref_squeeze %dma_wait3A_148 : memref<1x120xi32, #tpu.memory_space<vmem>> -> memref<120xi32, #tpu.memory_space<vmem>>
    %dma_wait3A_150 = arith.constant 0 : i32
    %dma_wait3A_151 = tpu.memref_slice %arg4[%add3A, %dma_wait3A, %dma_wait3A_150] : memref<32x84x120xi32, #tpu.memory_space<hbm>> -> memref<1x1x120xi32, #tpu.memory_space<hbm>>
    %dma_wait3A_152 = tpu.memref_squeeze %dma_wait3A_151 : memref<1x1x120xi32, #tpu.memory_space<hbm>> -> memref<120xi32, #tpu.memory_space<hbm>>
    tpu.wait_dma2 semaphore(%dma_wait3A_146 : memref<!tpu.dma_semaphore, #tpu.memory_space<semaphore_mem>>) src(%dma_wait3A_152 : memref<120xi32, #tpu.memory_space<hbm>>) dst(%dma_wait3A_149 : memref<120xi32, #tpu.memory_space<vmem>>)
    %dma_start3A_153 = arith.constant 0 : i32
    %dma_start3A_154 = arith.constant 0 : i32
    %dma_start3A_155 = arith.constant 0 : i32
    %dma_start3A_156 = arith.constant 0 : i32
    %dma_start3A_157 = arith.constant 0 : i32
    %dma_start3A_158 = tpu.memref_slice %arg7[%dma_start3A_154, %dma_start3A_156, %dma_start3A_157] : memref<3x120x128xf32, #tpu.memory_space<vmem>> -> memref<1x120x128xf32, #tpu.memory_space<vmem>>
    %dma_start3A_159 = tpu.memref_squeeze %dma_start3A_158 : memref<1x120x128xf32, #tpu.memory_space<vmem>> -> memref<120x128xf32, #tpu.memory_space<vmem>>
    %dma_start3A_160 = arith.constant 0 : i32
    %dma_start3A_161 = tpu.memref_slice %arg6[%dma_start3A_153, %dma_start3A_160] : memref<8x120xi32, #tpu.memory_space<vmem>> -> memref<1x120xi32, #tpu.memory_space<vmem>>
    %dma_start3A_162 = tpu.memref_squeeze %dma_start3A_161 : memref<1x120xi32, #tpu.memory_space<vmem>> -> memref<120xi32, #tpu.memory_space<vmem>>
    %dma_start3A_163 = arith.constant 0 : i32
    %dma_start3A_164 = arith.constant 0 : i32
    %dma_start3A_165 = tpu.memref_slice %arg2[%dma_start3A_163, %dma_start3A_164] : memref<10000x128xf32, #tpu.memory_space<hbm>> -> memref<10000x128xf32, #tpu.memory_space<hbm>>
    %dma_start3A_166 = tpu.memref_slice %arg11[%dma_start3A_155] : memref<3x!tpu.dma_semaphore, #tpu.memory_space<semaphore_mem>> -> memref<1x!tpu.dma_semaphore, #tpu.memory_space<semaphore_mem>>
    %dma_start3A_167 = tpu.memref_squeeze %dma_start3A_166 : memref<1x!tpu.dma_semaphore, #tpu.memory_space<semaphore_mem>> -> memref<!tpu.dma_semaphore, #tpu.memory_space<semaphore_mem>>
    tpu.enqueue_indirect_dma source(%dma_start3A_165 : memref<10000x128xf32, #tpu.memory_space<hbm>>) target(%dma_start3A_159 : memref<120x128xf32, #tpu.memory_space<vmem>>) offsets(%dma_start3A_162 : memref<120xi32, #tpu.memory_space<vmem>>) semaphore(%dma_start3A_167 : memref<!tpu.dma_semaphore, #tpu.memory_space<semaphore_mem>>)
    %dma_wait3A_168 = arith.constant 1 : i32
    %dma_wait3A_169 = arith.constant 1 : i32
    %dma_wait3A_170 = arith.constant 1 : i32
    %dma_wait3A_171 = arith.constant 0 : i32
    %dma_wait3A_172 = tpu.memref_slice %arg6[%dma_wait3A_169, %dma_wait3A_171] : memref<8x120xi32, #tpu.memory_space<vmem>> -> memref<1x120xi32, #tpu.memory_space<vmem>>
    %dma_wait3A_173 = tpu.memref_squeeze %dma_wait3A_172 : memref<1x120xi32, #tpu.memory_space<vmem>> -> memref<120xi32, #tpu.memory_space<vmem>>
    %dma_wait3A_174 = arith.constant 0 : i32
    %dma_wait3A_175 = tpu.memref_slice %arg4[%add3A, %dma_wait3A_168, %dma_wait3A_174] : memref<32x84x120xi32, #tpu.memory_space<hbm>> -> memref<1x1x120xi32, #tpu.memory_space<hbm>>
    %dma_wait3A_176 = tpu.memref_squeeze %dma_wait3A_175 : memref<1x1x120xi32, #tpu.memory_space<hbm>> -> memref<120xi32, #tpu.memory_space<hbm>>
    %dma_wait3A_177 = tpu.memref_slice %arg9[%dma_wait3A_170] : memref<4x!tpu.dma_semaphore, #tpu.memory_space<semaphore_mem>> -> memref<1x!tpu.dma_semaphore, #tpu.memory_space<semaphore_mem>>
    %dma_wait3A_178 = tpu.memref_squeeze %dma_wait3A_177 : memref<1x!tpu.dma_semaphore, #tpu.memory_space<semaphore_mem>> -> memref<!tpu.dma_semaphore, #tpu.memory_space<semaphore_mem>>
    %dma_wait3A_179 = arith.constant 0 : i32
    %dma_wait3A_180 = tpu.memref_slice %arg6[%dma_wait3A_169, %dma_wait3A_179] : memref<8x120xi32, #tpu.memory_space<vmem>> -> memref<1x120xi32, #tpu.memory_space<vmem>>
    %dma_wait3A_181 = tpu.memref_squeeze %dma_wait3A_180 : memref<1x120xi32, #tpu.memory_space<vmem>> -> memref<120xi32, #tpu.memory_space<vmem>>
    %dma_wait3A_182 = arith.constant 0 : i32
    %dma_wait3A_183 = tpu.memref_slice %arg4[%add3A, %dma_wait3A_168, %dma_wait3A_182] : memref<32x84x120xi32, #tpu.memory_space<hbm>> -> memref<1x1x120xi32, #tpu.memory_space<hbm>>
    %dma_wait3A_184 = tpu.memref_squeeze %dma_wait3A_183 : memref<1x1x120xi32, #tpu.memory_space<hbm>> -> memref<120xi32, #tpu.memory_space<hbm>>
    tpu.wait_dma2 semaphore(%dma_wait3A_178 : memref<!tpu.dma_semaphore, #tpu.memory_space<semaphore_mem>>) src(%dma_wait3A_184 : memref<120xi32, #tpu.memory_space<hbm>>) dst(%dma_wait3A_181 : memref<120xi32, #tpu.memory_space<vmem>>)
    %dma_start3A_185 = arith.constant 1 : i32
    %dma_start3A_186 = arith.constant 1 : i32
    %dma_start3A_187 = arith.constant 1 : i32
    %dma_start3A_188 = arith.constant 0 : i32
    %dma_start3A_189 = arith.constant 0 : i32
    %dma_start3A_190 = tpu.memref_slice %arg7[%dma_start3A_186, %dma_start3A_188, %dma_start3A_189] : memref<3x120x128xf32, #tpu.memory_space<vmem>> -> memref<1x120x128xf32, #tpu.memory_space<vmem>>
    %dma_start3A_191 = tpu.memref_squeeze %dma_start3A_190 : memref<1x120x128xf32, #tpu.memory_space<vmem>> -> memref<120x128xf32, #tpu.memory_space<vmem>>
    %dma_start3A_192 = arith.constant 0 : i32
    %dma_start3A_193 = tpu.memref_slice %arg6[%dma_start3A_185, %dma_start3A_192] : memref<8x120xi32, #tpu.memory_space<vmem>> -> memref<1x120xi32, #tpu.memory_space<vmem>>
    %dma_start3A_194 = tpu.memref_squeeze %dma_start3A_193 : memref<1x120xi32, #tpu.memory_space<vmem>> -> memref<120xi32, #tpu.memory_space<vmem>>
    %dma_start3A_195 = arith.constant 0 : i32
    %dma_start3A_196 = arith.constant 0 : i32
    %dma_start3A_197 = tpu.memref_slice %arg2[%dma_start3A_195, %dma_start3A_196] : memref<10000x128xf32, #tpu.memory_space<hbm>> -> memref<10000x128xf32, #tpu.memory_space<hbm>>
    %dma_start3A_198 = tpu.memref_slice %arg11[%dma_start3A_187] : memref<3x!tpu.dma_semaphore, #tpu.memory_space<semaphore_mem>> -> memref<1x!tpu.dma_semaphore, #tpu.memory_space<semaphore_mem>>
    %dma_start3A_199 = tpu.memref_squeeze %dma_start3A_198 : memref<1x!tpu.dma_semaphore, #tpu.memory_space<semaphore_mem>> -> memref<!tpu.dma_semaphore, #tpu.memory_space<semaphore_mem>>
    tpu.enqueue_indirect_dma source(%dma_start3A_197 : memref<10000x128xf32, #tpu.memory_space<hbm>>) target(%dma_start3A_191 : memref<120x128xf32, #tpu.memory_space<vmem>>) offsets(%dma_start3A_194 : memref<120xi32, #tpu.memory_space<vmem>>) semaphore(%dma_start3A_199 : memref<!tpu.dma_semaphore, #tpu.memory_space<semaphore_mem>>)
    %scan3A_200 = arith.constant 0 : i32
    %scan3A_201 = arith.constant 0 : i32
    %scan3A_202 = arith.constant 84 : i32
    %scan3A_203 = arith.addi %scan3A_201, %scan3A_202 : i32
    %scan3A_204 = arith.constant 1 : i32
    scf.for %scan3A_211 = %scan3A_201 to %scan3A_203 step %scan3A_204  : i32 {
      %add3A_212 = arith.constant 2 : i32
      %add3A_213 = arith.addi %scan3A_211, %add3A_212 : i32
      %lt3A = arith.constant 84 : i32
      %lt3A_214 = arith.cmpi slt, %add3A_213, %lt3A : i32
      %convert_element_type3A = arith.extui %lt3A_214 : i1 to i32
      %cond3A = arith.constant 0 : i32
      %cond3A_215 = arith.cmpi ne, %convert_element_type3A, %cond3A : i32
      scf.if %cond3A_215 {
        %add3A_343 = arith.constant 2 : i32
        %add3A_344 = arith.addi %scan3A_211, %add3A_343 : i32
        %jit3A_345 = arith.constant 4 : i32
        %eq3A_346 = arith.constant 0 : i32
        %eq3A_347 = arith.cmpi eq, %jit3A_345, %eq3A_346 : i32
        %jit3A_348 = arith.constant 1 : i32
        %select_n3A_349 = arith.select %eq3A_347, %jit3A_348, %jit3A_345 : i32
        %rem3A_350 = arith.remsi %add3A_344, %select_n3A_349 : i32
        %ne3A_351 = arith.constant 0 : i32
        %ne3A_352 = arith.cmpi ne, %rem3A_350, %ne3A_351 : i32
        %lt3A_353 = arith.constant 0 : i32
        %lt3A_354 = arith.cmpi slt, %rem3A_350, %lt3A_353 : i32
        %lt3A_355 = arith.constant 0 : i32
        %lt3A_356 = arith.cmpi slt, %select_n3A_349, %lt3A_355 : i32
        %ne3A_357 = arith.xori %lt3A_354, %lt3A_356 : i1
        %and3A_358 = arith.andi %ne3A_357, %ne3A_352 : i1
        %add3A_359 = arith.addi %rem3A_350, %select_n3A_349 : i32
        %select_n3A_360 = arith.select %and3A_358, %add3A_359, %rem3A_350 : i32
        %dma_wait3A_361 = arith.constant 0 : i32
        %dma_wait3A_362 = tpu.memref_slice %arg6[%select_n3A_360, %dma_wait3A_361] : memref<8x120xi32, #tpu.memory_space<vmem>> -> memref<1x120xi32, #tpu.memory_space<vmem>>
        %dma_wait3A_363 = tpu.memref_squeeze %dma_wait3A_362 : memref<1x120xi32, #tpu.memory_space<vmem>> -> memref<120xi32, #tpu.memory_space<vmem>>
        %dma_wait3A_364 = arith.constant 0 : i32
        %dma_wait3A_365 = tpu.memref_slice %arg4[%add3A, %add3A_344, %dma_wait3A_364] : memref<32x84x120xi32, #tpu.memory_space<hbm>> -> memref<1x1x120xi32, #tpu.memory_space<hbm>>
        %dma_wait3A_366 = tpu.memref_squeeze %dma_wait3A_365 : memref<1x1x120xi32, #tpu.memory_space<hbm>> -> memref<120xi32, #tpu.memory_space<hbm>>
        %dma_wait3A_367 = tpu.memref_slice %arg9[%select_n3A_360] : memref<4x!tpu.dma_semaphore, #tpu.memory_space<semaphore_mem>> -> memref<1x!tpu.dma_semaphore, #tpu.memory_space<semaphore_mem>>
        %dma_wait3A_368 = tpu.memref_squeeze %dma_wait3A_367 : memref<1x!tpu.dma_semaphore, #tpu.memory_space<semaphore_mem>> -> memref<!tpu.dma_semaphore, #tpu.memory_space<semaphore_mem>>
        %dma_wait3A_369 = arith.constant 0 : i32
        %dma_wait3A_370 = tpu.memref_slice %arg6[%select_n3A_360, %dma_wait3A_369] : memref<8x120xi32, #tpu.memory_space<vmem>> -> memref<1x120xi32, #tpu.memory_space<vmem>>
        %dma_wait3A_371 = tpu.memref_squeeze %dma_wait3A_370 : memref<1x120xi32, #tpu.memory_space<vmem>> -> memref<120xi32, #tpu.memory_space<vmem>>
        %dma_wait3A_372 = arith.constant 0 : i32
        %dma_wait3A_373 = tpu.memref_slice %arg4[%add3A, %add3A_344, %dma_wait3A_372] : memref<32x84x120xi32, #tpu.memory_space<hbm>> -> memref<1x1x120xi32, #tpu.memory_space<hbm>>
        %dma_wait3A_374 = tpu.memref_squeeze %dma_wait3A_373 : memref<1x1x120xi32, #tpu.memory_space<hbm>> -> memref<120xi32, #tpu.memory_space<hbm>>
        tpu.wait_dma2 semaphore(%dma_wait3A_368 : memref<!tpu.dma_semaphore, #tpu.memory_space<semaphore_mem>>) src(%dma_wait3A_374 : memref<120xi32, #tpu.memory_space<hbm>>) dst(%dma_wait3A_371 : memref<120xi32, #tpu.memory_space<vmem>>)
        %add3A_375 = arith.constant 2 : i32
        %add3A_376 = arith.addi %scan3A_211, %add3A_375 : i32
        %jit3A_377 = arith.constant 4 : i32
        %eq3A_378 = arith.constant 0 : i32
        %eq3A_379 = arith.cmpi eq, %jit3A_377, %eq3A_378 : i32
        %jit3A_380 = arith.constant 1 : i32
        %select_n3A_381 = arith.select %eq3A_379, %jit3A_380, %jit3A_377 : i32
        %rem3A_382 = arith.remsi %add3A_376, %select_n3A_381 : i32
        %ne3A_383 = arith.constant 0 : i32
        %ne3A_384 = arith.cmpi ne, %rem3A_382, %ne3A_383 : i32
        %lt3A_385 = arith.constant 0 : i32
        %lt3A_386 = arith.cmpi slt, %rem3A_382, %lt3A_385 : i32
        %lt3A_387 = arith.constant 0 : i32
        %lt3A_388 = arith.cmpi slt, %select_n3A_381, %lt3A_387 : i32
        %ne3A_389 = arith.xori %lt3A_386, %lt3A_388 : i1
        %and3A_390 = arith.andi %ne3A_389, %ne3A_384 : i1
        %add3A_391 = arith.addi %rem3A_382, %select_n3A_381 : i32
        %select_n3A_392 = arith.select %and3A_390, %add3A_391, %rem3A_382 : i32
        %jit3A_393 = arith.constant 3 : i32
        %eq3A_394 = arith.constant 0 : i32
        %eq3A_395 = arith.cmpi eq, %jit3A_393, %eq3A_394 : i32
        %jit3A_396 = arith.constant 1 : i32
        %select_n3A_397 = arith.select %eq3A_395, %jit3A_396, %jit3A_393 : i32
        %rem3A_398 = arith.remsi %add3A_376, %select_n3A_397 : i32
        %ne3A_399 = arith.constant 0 : i32
        %ne3A_400 = arith.cmpi ne, %rem3A_398, %ne3A_399 : i32
        %lt3A_401 = arith.constant 0 : i32
        %lt3A_402 = arith.cmpi slt, %rem3A_398, %lt3A_401 : i32
        %lt3A_403 = arith.constant 0 : i32
        %lt3A_404 = arith.cmpi slt, %select_n3A_397, %lt3A_403 : i32
        %ne3A_405 = arith.xori %lt3A_402, %lt3A_404 : i1
        %and3A_406 = arith.andi %ne3A_405, %ne3A_400 : i1
        %add3A_407 = arith.addi %rem3A_398, %select_n3A_397 : i32
        %select_n3A_408 = arith.select %and3A_406, %add3A_407, %rem3A_398 : i32
        %jit3A_409 = arith.constant 3 : i32
        %eq3A_410 = arith.constant 0 : i32
        %eq3A_411 = arith.cmpi eq, %jit3A_409, %eq3A_410 : i32
        %jit3A_412 = arith.constant 1 : i32
        %select_n3A_413 = arith.select %eq3A_411, %jit3A_412, %jit3A_409 : i32
        %rem3A_414 = arith.remsi %add3A_376, %select_n3A_413 : i32
        %ne3A_415 = arith.constant 0 : i32
        %ne3A_416 = arith.cmpi ne, %rem3A_414, %ne3A_415 : i32
        %lt3A_417 = arith.constant 0 : i32
        %lt3A_418 = arith.cmpi slt, %rem3A_414, %lt3A_417 : i32
        %lt3A_419 = arith.constant 0 : i32
        %lt3A_420 = arith.cmpi slt, %select_n3A_413, %lt3A_419 : i32
        %ne3A_421 = arith.xori %lt3A_418, %lt3A_420 : i1
        %and3A_422 = arith.andi %ne3A_421, %ne3A_416 : i1
        %add3A_423 = arith.addi %rem3A_414, %select_n3A_413 : i32
        %select_n3A_424 = arith.select %and3A_422, %add3A_423, %rem3A_414 : i32
        %dma_start3A_425 = arith.constant 0 : i32
        %dma_start3A_426 = arith.constant 0 : i32
        %dma_start3A_427 = tpu.memref_slice %arg7[%select_n3A_408, %dma_start3A_425, %dma_start3A_426] : memref<3x120x128xf32, #tpu.memory_space<vmem>> -> memref<1x120x128xf32, #tpu.memory_space<vmem>>
        %dma_start3A_428 = tpu.memref_squeeze %dma_start3A_427 : memref<1x120x128xf32, #tpu.memory_space<vmem>> -> memref<120x128xf32, #tpu.memory_space<vmem>>
        %dma_start3A_429 = arith.constant 0 : i32
        %dma_start3A_430 = tpu.memref_slice %arg6[%select_n3A_392, %dma_start3A_429] : memref<8x120xi32, #tpu.memory_space<vmem>> -> memref<1x120xi32, #tpu.memory_space<vmem>>
        %dma_start3A_431 = tpu.memref_squeeze %dma_start3A_430 : memref<1x120xi32, #tpu.memory_space<vmem>> -> memref<120xi32, #tpu.memory_space<vmem>>
        %dma_start3A_432 = arith.constant 0 : i32
        %dma_start3A_433 = arith.constant 0 : i32
        %dma_start3A_434 = tpu.memref_slice %arg2[%dma_start3A_432, %dma_start3A_433] : memref<10000x128xf32, #tpu.memory_space<hbm>> -> memref<10000x128xf32, #tpu.memory_space<hbm>>
        %dma_start3A_435 = tpu.memref_slice %arg11[%select_n3A_424] : memref<3x!tpu.dma_semaphore, #tpu.memory_space<semaphore_mem>> -> memref<1x!tpu.dma_semaphore, #tpu.memory_space<semaphore_mem>>
        %dma_start3A_436 = tpu.memref_squeeze %dma_start3A_435 : memref<1x!tpu.dma_semaphore, #tpu.memory_space<semaphore_mem>> -> memref<!tpu.dma_semaphore, #tpu.memory_space<semaphore_mem>>
        tpu.enqueue_indirect_dma source(%dma_start3A_434 : memref<10000x128xf32, #tpu.memory_space<hbm>>) target(%dma_start3A_428 : memref<120x128xf32, #tpu.memory_space<vmem>>) offsets(%dma_start3A_431 : memref<120xi32, #tpu.memory_space<vmem>>) semaphore(%dma_start3A_436 : memref<!tpu.dma_semaphore, #tpu.memory_space<semaphore_mem>>)
      } else {
      }
      %add3A_216 = arith.constant 3 : i32
      %add3A_217 = arith.addi %scan3A_211, %add3A_216 : i32
      %lt3A_218 = arith.constant 84 : i32
      %lt3A_219 = arith.cmpi slt, %add3A_217, %lt3A_218 : i32
      %convert_element_type3A_220 = arith.extui %lt3A_219 : i1 to i32
      %cond3A_221 = arith.constant 0 : i32
      %cond3A_222 = arith.cmpi ne, %convert_element_type3A_220, %cond3A_221 : i32
      scf.if %cond3A_222 {
        %add3A_343 = arith.constant 3 : i32
        %add3A_344 = arith.addi %scan3A_211, %add3A_343 : i32
        %jit3A_345 = arith.constant 4 : i32
        %eq3A_346 = arith.constant 0 : i32
        %eq3A_347 = arith.cmpi eq, %jit3A_345, %eq3A_346 : i32
        %jit3A_348 = arith.constant 1 : i32
        %select_n3A_349 = arith.select %eq3A_347, %jit3A_348, %jit3A_345 : i32
        %rem3A_350 = arith.remsi %add3A_344, %select_n3A_349 : i32
        %ne3A_351 = arith.constant 0 : i32
        %ne3A_352 = arith.cmpi ne, %rem3A_350, %ne3A_351 : i32
        %lt3A_353 = arith.constant 0 : i32
        %lt3A_354 = arith.cmpi slt, %rem3A_350, %lt3A_353 : i32
        %lt3A_355 = arith.constant 0 : i32
        %lt3A_356 = arith.cmpi slt, %select_n3A_349, %lt3A_355 : i32
        %ne3A_357 = arith.xori %lt3A_354, %lt3A_356 : i1
        %and3A_358 = arith.andi %ne3A_357, %ne3A_352 : i1
        %add3A_359 = arith.addi %rem3A_350, %select_n3A_349 : i32
        %select_n3A_360 = arith.select %and3A_358, %add3A_359, %rem3A_350 : i32
        %dma_start3A_361 = arith.constant 0 : i32
        %dma_start3A_362 = tpu.memref_slice %arg6[%select_n3A_360, %dma_start3A_361] : memref<8x120xi32, #tpu.memory_space<vmem>> -> memref<1x120xi32, #tpu.memory_space<vmem>>
        %dma_start3A_363 = tpu.memref_squeeze %dma_start3A_362 : memref<1x120xi32, #tpu.memory_space<vmem>> -> memref<120xi32, #tpu.memory_space<vmem>>
        %dma_start3A_364 = arith.constant 0 : i32
        %dma_start3A_365 = tpu.memref_slice %arg4[%add3A, %add3A_344, %dma_start3A_364] : memref<32x84x120xi32, #tpu.memory_space<hbm>> -> memref<1x1x120xi32, #tpu.memory_space<hbm>>
        %dma_start3A_366 = tpu.memref_squeeze %dma_start3A_365 : memref<1x1x120xi32, #tpu.memory_space<hbm>> -> memref<120xi32, #tpu.memory_space<hbm>>
        %dma_start3A_367 = tpu.memref_slice %arg9[%select_n3A_360] : memref<4x!tpu.dma_semaphore, #tpu.memory_space<semaphore_mem>> -> memref<1x!tpu.dma_semaphore, #tpu.memory_space<semaphore_mem>>
        %dma_start3A_368 = tpu.memref_squeeze %dma_start3A_367 : memref<1x!tpu.dma_semaphore, #tpu.memory_space<semaphore_mem>> -> memref<!tpu.dma_semaphore, #tpu.memory_space<semaphore_mem>>
        %dma_start3A_369 = arith.constant 0 : i32
        %dma_start3A_370 = tpu.memref_slice %arg6[%select_n3A_360, %dma_start3A_369] : memref<8x120xi32, #tpu.memory_space<vmem>> -> memref<1x120xi32, #tpu.memory_space<vmem>>
        %dma_start3A_371 = tpu.memref_squeeze %dma_start3A_370 : memref<1x120xi32, #tpu.memory_space<vmem>> -> memref<120xi32, #tpu.memory_space<vmem>>
        %dma_start3A_372 = arith.constant 0 : i32
        %dma_start3A_373 = tpu.memref_slice %arg4[%add3A, %add3A_344, %dma_start3A_372] : memref<32x84x120xi32, #tpu.memory_space<hbm>> -> memref<1x1x120xi32, #tpu.memory_space<hbm>>
        %dma_start3A_374 = tpu.memref_squeeze %dma_start3A_373 : memref<1x1x120xi32, #tpu.memory_space<hbm>> -> memref<120xi32, #tpu.memory_space<hbm>>
        tpu.enqueue_dma source(%dma_start3A_374 : memref<120xi32, #tpu.memory_space<hbm>>) target(%dma_start3A_371 : memref<120xi32, #tpu.memory_space<vmem>>) target_semaphore(%dma_start3A_368 : memref<!tpu.dma_semaphore, #tpu.memory_space<semaphore_mem>>)
        %add3A_375 = arith.constant 4 : i32
        %add3A_376 = arith.addi %add3A_375, %select_n3A_360 : i32
        %dma_start3A_377 = arith.constant 0 : i32
        %dma_start3A_378 = tpu.memref_slice %arg6[%add3A_376, %dma_start3A_377] : memref<8x120xi32, #tpu.memory_space<vmem>> -> memref<1x120xi32, #tpu.memory_space<vmem>>
        %dma_start3A_379 = tpu.memref_squeeze %dma_start3A_378 : memref<1x120xi32, #tpu.memory_space<vmem>> -> memref<120xi32, #tpu.memory_space<vmem>>
        %dma_start3A_380 = arith.constant 0 : i32
        %dma_start3A_381 = tpu.memref_slice %arg3[%add3A, %add3A_344, %dma_start3A_380] : memref<32x84x120xi32, #tpu.memory_space<hbm>> -> memref<1x1x120xi32, #tpu.memory_space<hbm>>
        %dma_start3A_382 = tpu.memref_squeeze %dma_start3A_381 : memref<1x1x120xi32, #tpu.memory_space<hbm>> -> memref<120xi32, #tpu.memory_space<hbm>>
        %dma_start3A_383 = tpu.memref_slice %arg10[%select_n3A_360] : memref<4x!tpu.dma_semaphore, #tpu.memory_space<semaphore_mem>> -> memref<1x!tpu.dma_semaphore, #tpu.memory_space<semaphore_mem>>
        %dma_start3A_384 = tpu.memref_squeeze %dma_start3A_383 : memref<1x!tpu.dma_semaphore, #tpu.memory_space<semaphore_mem>> -> memref<!tpu.dma_semaphore, #tpu.memory_space<semaphore_mem>>
        %dma_start3A_385 = arith.constant 0 : i32
        %dma_start3A_386 = tpu.memref_slice %arg6[%add3A_376, %dma_start3A_385] : memref<8x120xi32, #tpu.memory_space<vmem>> -> memref<1x120xi32, #tpu.memory_space<vmem>>
        %dma_start3A_387 = tpu.memref_squeeze %dma_start3A_386 : memref<1x120xi32, #tpu.memory_space<vmem>> -> memref<120xi32, #tpu.memory_space<vmem>>
        %dma_start3A_388 = arith.constant 0 : i32
        %dma_start3A_389 = tpu.memref_slice %arg3[%add3A, %add3A_344, %dma_start3A_388] : memref<32x84x120xi32, #tpu.memory_space<hbm>> -> memref<1x1x120xi32, #tpu.memory_space<hbm>>
        %dma_start3A_390 = tpu.memref_squeeze %dma_start3A_389 : memref<1x1x120xi32, #tpu.memory_space<hbm>> -> memref<120xi32, #tpu.memory_space<hbm>>
        tpu.enqueue_dma source(%dma_start3A_390 : memref<120xi32, #tpu.memory_space<hbm>>) target(%dma_start3A_387 : memref<120xi32, #tpu.memory_space<vmem>>) target_semaphore(%dma_start3A_384 : memref<!tpu.dma_semaphore, #tpu.memory_space<semaphore_mem>>)
      } else {
      }
      %jit3A = arith.constant 4 : i32
      %eq3A = arith.constant 0 : i32
      %eq3A_223 = arith.cmpi eq, %jit3A, %eq3A : i32
      %jit3A_224 = arith.constant 1 : i32
      %select_n3A = arith.select %eq3A_223, %jit3A_224, %jit3A : i32
      %rem3A = arith.remsi %scan3A_211, %select_n3A : i32
      %ne3A = arith.constant 0 : i32
      %ne3A_225 = arith.cmpi ne, %rem3A, %ne3A : i32
      %lt3A_226 = arith.constant 0 : i32
      %lt3A_227 = arith.cmpi slt, %rem3A, %lt3A_226 : i32
      %lt3A_228 = arith.constant 0 : i32
      %lt3A_229 = arith.cmpi slt, %select_n3A, %lt3A_228 : i32
      %ne3A_230 = arith.xori %lt3A_227, %lt3A_229 : i1
      %and3A = arith.andi %ne3A_230, %ne3A_225 : i1
      %add3A_231 = arith.addi %rem3A, %select_n3A : i32
      %select_n3A_232 = arith.select %and3A, %add3A_231, %rem3A : i32
      %jit3A_233 = arith.constant 3 : i32
      %eq3A_234 = arith.constant 0 : i32
      %eq3A_235 = arith.cmpi eq, %jit3A_233, %eq3A_234 : i32
      %jit3A_236 = arith.constant 1 : i32
      %select_n3A_237 = arith.select %eq3A_235, %jit3A_236, %jit3A_233 : i32
      %rem3A_238 = arith.remsi %scan3A_211, %select_n3A_237 : i32
      %ne3A_239 = arith.constant 0 : i32
      %ne3A_240 = arith.cmpi ne, %rem3A_238, %ne3A_239 : i32
      %lt3A_241 = arith.constant 0 : i32
      %lt3A_242 = arith.cmpi slt, %rem3A_238, %lt3A_241 : i32
      %lt3A_243 = arith.constant 0 : i32
      %lt3A_244 = arith.cmpi slt, %select_n3A_237, %lt3A_243 : i32
      %ne3A_245 = arith.xori %lt3A_242, %lt3A_244 : i1
      %and3A_246 = arith.andi %ne3A_245, %ne3A_240 : i1
      %add3A_247 = arith.addi %rem3A_238, %select_n3A_237 : i32
      %select_n3A_248 = arith.select %and3A_246, %add3A_247, %rem3A_238 : i32
      %jit3A_249 = arith.constant 3 : i32
      %eq3A_250 = arith.constant 0 : i32
      %eq3A_251 = arith.cmpi eq, %jit3A_249, %eq3A_250 : i32
      %jit3A_252 = arith.constant 1 : i32
      %select_n3A_253 = arith.select %eq3A_251, %jit3A_252, %jit3A_249 : i32
      %rem3A_254 = arith.remsi %scan3A_211, %select_n3A_253 : i32
      %ne3A_255 = arith.constant 0 : i32
      %ne3A_256 = arith.cmpi ne, %rem3A_254, %ne3A_255 : i32
      %lt3A_257 = arith.constant 0 : i32
      %lt3A_258 = arith.cmpi slt, %rem3A_254, %lt3A_257 : i32
      %lt3A_259 = arith.constant 0 : i32
      %lt3A_260 = arith.cmpi slt, %select_n3A_253, %lt3A_259 : i32
      %ne3A_261 = arith.xori %lt3A_258, %lt3A_260 : i1
      %and3A_262 = arith.andi %ne3A_261, %ne3A_256 : i1
      %add3A_263 = arith.addi %rem3A_254, %select_n3A_253 : i32
      %select_n3A_264 = arith.select %and3A_262, %add3A_263, %rem3A_254 : i32
      %dma_wait3A_265 = arith.constant 0 : i32
      %dma_wait3A_266 = arith.constant 0 : i32
      %dma_wait3A_267 = tpu.memref_slice %arg7[%select_n3A_248, %dma_wait3A_265, %dma_wait3A_266] : memref<3x120x128xf32, #tpu.memory_space<vmem>> -> memref<1x120x128xf32, #tpu.memory_space<vmem>>
      %dma_wait3A_268 = tpu.memref_squeeze %dma_wait3A_267 : memref<1x120x128xf32, #tpu.memory_space<vmem>> -> memref<120x128xf32, #tpu.memory_space<vmem>>
      %dma_wait3A_269 = arith.constant 0 : i32
      %dma_wait3A_270 = tpu.memref_slice %arg6[%select_n3A_232, %dma_wait3A_269] : memref<8x120xi32, #tpu.memory_space<vmem>> -> memref<1x120xi32, #tpu.memory_space<vmem>>
      %dma_wait3A_271 = tpu.memref_squeeze %dma_wait3A_270 : memref<1x120xi32, #tpu.memory_space<vmem>> -> memref<120xi32, #tpu.memory_space<vmem>>
      %dma_wait3A_272 = arith.constant 0 : i32
      %dma_wait3A_273 = arith.constant 0 : i32
      %dma_wait3A_274 = tpu.memref_slice %arg2[%dma_wait3A_272, %dma_wait3A_273] : memref<10000x128xf32, #tpu.memory_space<hbm>> -> memref<10000x128xf32, #tpu.memory_space<hbm>>
      %dma_wait3A_275 = tpu.memref_slice %arg11[%select_n3A_264] : memref<3x!tpu.dma_semaphore, #tpu.memory_space<semaphore_mem>> -> memref<1x!tpu.dma_semaphore, #tpu.memory_space<semaphore_mem>>
      %dma_wait3A_276 = tpu.memref_squeeze %dma_wait3A_275 : memref<1x!tpu.dma_semaphore, #tpu.memory_space<semaphore_mem>> -> memref<!tpu.dma_semaphore, #tpu.memory_space<semaphore_mem>>
      tpu.wait_indirect_dma semaphore(%dma_wait3A_276 : memref<!tpu.dma_semaphore, #tpu.memory_space<semaphore_mem>>) src(%dma_wait3A_274 : memref<10000x128xf32, #tpu.memory_space<hbm>>) dst(%dma_wait3A_268 : memref<120x128xf32, #tpu.memory_space<vmem>>)
      %jit3A_277 = arith.constant 4 : i32
      %eq3A_278 = arith.constant 0 : i32
      %eq3A_279 = arith.cmpi eq, %jit3A_277, %eq3A_278 : i32
      %jit3A_280 = arith.constant 1 : i32
      %select_n3A_281 = arith.select %eq3A_279, %jit3A_280, %jit3A_277 : i32
      %rem3A_282 = arith.remsi %scan3A_211, %select_n3A_281 : i32
      %ne3A_283 = arith.constant 0 : i32
      %ne3A_284 = arith.cmpi ne, %rem3A_282, %ne3A_283 : i32
      %lt3A_285 = arith.constant 0 : i32
      %lt3A_286 = arith.cmpi slt, %rem3A_282, %lt3A_285 : i32
      %lt3A_287 = arith.constant 0 : i32
      %lt3A_288 = arith.cmpi slt, %select_n3A_281, %lt3A_287 : i32
      %ne3A_289 = arith.xori %lt3A_286, %lt3A_288 : i1
      %and3A_290 = arith.andi %ne3A_289, %ne3A_284 : i1
      %add3A_291 = arith.addi %rem3A_282, %select_n3A_281 : i32
      %select_n3A_292 = arith.select %and3A_290, %add3A_291, %rem3A_282 : i32
      %add3A_293 = arith.constant 4 : i32
      %add3A_294 = arith.addi %add3A_293, %select_n3A_292 : i32
      %dma_wait3A_295 = arith.constant 0 : i32
      %dma_wait3A_296 = tpu.memref_slice %arg6[%add3A_294, %dma_wait3A_295] : memref<8x120xi32, #tpu.memory_space<vmem>> -> memref<1x120xi32, #tpu.memory_space<vmem>>
      %dma_wait3A_297 = tpu.memref_squeeze %dma_wait3A_296 : memref<1x120xi32, #tpu.memory_space<vmem>> -> memref<120xi32, #tpu.memory_space<vmem>>
      %dma_wait3A_298 = arith.constant 0 : i32
      %dma_wait3A_299 = tpu.memref_slice %arg3[%add3A, %scan3A_211, %dma_wait3A_298] : memref<32x84x120xi32, #tpu.memory_space<hbm>> -> memref<1x1x120xi32, #tpu.memory_space<hbm>>
      %dma_wait3A_300 = tpu.memref_squeeze %dma_wait3A_299 : memref<1x1x120xi32, #tpu.memory_space<hbm>> -> memref<120xi32, #tpu.memory_space<hbm>>
      %dma_wait3A_301 = tpu.memref_slice %arg10[%select_n3A_292] : memref<4x!tpu.dma_semaphore, #tpu.memory_space<semaphore_mem>> -> memref<1x!tpu.dma_semaphore, #tpu.memory_space<semaphore_mem>>
      %dma_wait3A_302 = tpu.memref_squeeze %dma_wait3A_301 : memref<1x!tpu.dma_semaphore, #tpu.memory_space<semaphore_mem>> -> memref<!tpu.dma_semaphore, #tpu.memory_space<semaphore_mem>>
      %dma_wait3A_303 = arith.constant 0 : i32
      %dma_wait3A_304 = tpu.memref_slice %arg6[%add3A_294, %dma_wait3A_303] : memref<8x120xi32, #tpu.memory_space<vmem>> -> memref<1x120xi32, #tpu.memory_space<vmem>>
      %dma_wait3A_305 = tpu.memref_squeeze %dma_wait3A_304 : memref<1x120xi32, #tpu.memory_space<vmem>> -> memref<120xi32, #tpu.memory_space<vmem>>
      %dma_wait3A_306 = arith.constant 0 : i32
      %dma_wait3A_307 = tpu.memref_slice %arg3[%add3A, %scan3A_211, %dma_wait3A_306] : memref<32x84x120xi32, #tpu.memory_space<hbm>> -> memref<1x1x120xi32, #tpu.memory_space<hbm>>
      %dma_wait3A_308 = tpu.memref_squeeze %dma_wait3A_307 : memref<1x1x120xi32, #tpu.memory_space<hbm>> -> memref<120xi32, #tpu.memory_space<hbm>>
      tpu.wait_dma2 semaphore(%dma_wait3A_302 : memref<!tpu.dma_semaphore, #tpu.memory_space<semaphore_mem>>) src(%dma_wait3A_308 : memref<120xi32, #tpu.memory_space<hbm>>) dst(%dma_wait3A_305 : memref<120xi32, #tpu.memory_space<vmem>>)
      %jit3A_309 = arith.constant 3 : i32
      %eq3A_310 = arith.constant 0 : i32
      %eq3A_311 = arith.cmpi eq, %jit3A_309, %eq3A_310 : i32
      %jit3A_312 = arith.constant 1 : i32
      %select_n3A_313 = arith.select %eq3A_311, %jit3A_312, %jit3A_309 : i32
      %rem3A_314 = arith.remsi %scan3A_211, %select_n3A_313 : i32
      %ne3A_315 = arith.constant 0 : i32
      %ne3A_316 = arith.cmpi ne, %rem3A_314, %ne3A_315 : i32
      %lt3A_317 = arith.constant 0 : i32
      %lt3A_318 = arith.cmpi slt, %rem3A_314, %lt3A_317 : i32
      %lt3A_319 = arith.constant 0 : i32
      %lt3A_320 = arith.cmpi slt, %select_n3A_313, %lt3A_319 : i32
      %ne3A_321 = arith.xori %lt3A_318, %lt3A_320 : i1
      %and3A_322 = arith.andi %ne3A_321, %ne3A_316 : i1
      %add3A_323 = arith.addi %rem3A_314, %select_n3A_313 : i32
      %select_n3A_324 = arith.select %and3A_322, %add3A_323, %rem3A_314 : i32
      %jit3A_325 = arith.constant 4 : i32
      %eq3A_326 = arith.constant 0 : i32
      %eq3A_327 = arith.cmpi eq, %jit3A_325, %eq3A_326 : i32
      %jit3A_328 = arith.constant 1 : i32
      %select_n3A_329 = arith.select %eq3A_327, %jit3A_328, %jit3A_325 : i32
      %rem3A_330 = arith.remsi %scan3A_211, %select_n3A_329 : i32
      %ne3A_331 = arith.constant 0 : i32
      %ne3A_332 = arith.cmpi ne, %rem3A_330, %ne3A_331 : i32
      %lt3A_333 = arith.constant 0 : i32
      %lt3A_334 = arith.cmpi slt, %rem3A_330, %lt3A_333 : i32
      %lt3A_335 = arith.constant 0 : i32
      %lt3A_336 = arith.cmpi slt, %select_n3A_329, %lt3A_335 : i32
      %ne3A_337 = arith.xori %lt3A_334, %lt3A_336 : i1
      %and3A_338 = arith.andi %ne3A_337, %ne3A_332 : i1
      %add3A_339 = arith.addi %rem3A_330, %select_n3A_329 : i32
      %select_n3A_340 = arith.select %and3A_338, %add3A_339, %rem3A_330 : i32
      %add3A_341 = arith.constant 4 : i32
      %add3A_342 = arith.addi %add3A_341, %select_n3A_340 : i32
      "tpu.region"() ({
        %run_scoped3A_343 = tpu.sem_alloc : memref<!tpu.dma_semaphore, #tpu.memory_space<semaphore_mem>>
        %dma_start3A_344 = arith.constant 0 : i32
        %dma_start3A_345 = arith.constant 0 : i32
        %dma_start3A_346 = tpu.memref_slice %arg7[%select_n3A_324, %dma_start3A_344, %dma_start3A_345] : memref<3x120x128xf32, #tpu.memory_space<vmem>> -> memref<1x120x128xf32, #tpu.memory_space<vmem>>
        %dma_start3A_347 = tpu.memref_squeeze %dma_start3A_346 : memref<1x120x128xf32, #tpu.memory_space<vmem>> -> memref<120x128xf32, #tpu.memory_space<vmem>>
        %dma_start3A_348 = arith.constant 0 : i32
        %dma_start3A_349 = tpu.memref_slice %arg6[%add3A_342, %dma_start3A_348] : memref<8x120xi32, #tpu.memory_space<vmem>> -> memref<1x120xi32, #tpu.memory_space<vmem>>
        %dma_start3A_350 = tpu.memref_squeeze %dma_start3A_349 : memref<1x120xi32, #tpu.memory_space<vmem>> -> memref<120xi32, #tpu.memory_space<vmem>>
        %dma_start3A_351 = arith.constant 0 : i32
        %dma_start3A_352 = arith.constant 0 : i32
        %dma_start3A_353 = tpu.memref_slice %arg8[%dma_start3A_351, %dma_start3A_352] : memref<10112x128xf32, #tpu.memory_space<vmem_shared>> -> memref<10112x128xf32, #tpu.memory_space<vmem_shared>>
        tpu.enqueue_indirect_dma source(%dma_start3A_347 : memref<120x128xf32, #tpu.memory_space<vmem>>) target(%dma_start3A_353 : memref<10112x128xf32, #tpu.memory_space<vmem_shared>>) offsets(%dma_start3A_350 : memref<120xi32, #tpu.memory_space<vmem>>) semaphore(%run_scoped3A_343 : memref<!tpu.dma_semaphore, #tpu.memory_space<semaphore_mem>>) {add = true}
        %dma_wait3A_354 = arith.constant 0 : i32
        %dma_wait3A_355 = arith.constant 0 : i32
        %dma_wait3A_356 = tpu.memref_slice %arg7[%select_n3A_324, %dma_wait3A_354, %dma_wait3A_355] : memref<3x120x128xf32, #tpu.memory_space<vmem>> -> memref<1x120x128xf32, #tpu.memory_space<vmem>>
        %dma_wait3A_357 = tpu.memref_squeeze %dma_wait3A_356 : memref<1x120x128xf32, #tpu.memory_space<vmem>> -> memref<120x128xf32, #tpu.memory_space<vmem>>
        %dma_wait3A_358 = arith.constant 0 : i32
        %dma_wait3A_359 = tpu.memref_slice %arg6[%add3A_342, %dma_wait3A_358] : memref<8x120xi32, #tpu.memory_space<vmem>> -> memref<1x120xi32, #tpu.memory_space<vmem>>
        %dma_wait3A_360 = tpu.memref_squeeze %dma_wait3A_359 : memref<1x120xi32, #tpu.memory_space<vmem>> -> memref<120xi32, #tpu.memory_space<vmem>>
        %dma_wait3A_361 = arith.constant 0 : i32
        %dma_wait3A_362 = arith.constant 0 : i32
        %dma_wait3A_363 = tpu.memref_slice %arg8[%dma_wait3A_361, %dma_wait3A_362] : memref<10112x128xf32, #tpu.memory_space<vmem_shared>> -> memref<10112x128xf32, #tpu.memory_space<vmem_shared>>
        tpu.wait_indirect_dma semaphore(%run_scoped3A_343 : memref<!tpu.dma_semaphore, #tpu.memory_space<semaphore_mem>>) src(%dma_wait3A_357 : memref<120x128xf32, #tpu.memory_space<vmem>>) dst(%dma_wait3A_363 : memref<10112x128xf32, #tpu.memory_space<vmem_shared>>)
        tpu.yield
      }) : () -> ()
    }
    %scan3A_205 = arith.constant 84 : i32
    %barrier3A_206 = arith.constant 0 : index
    tpu.barrier barrier_id(%barrier3A_206)
    %mul3A_207 = arith.constant 632 : i32
    %mul3A_208 = arith.muli %arg1, %mul3A_207 : i32
    %mul3A_209 = arith.constant 632 : i32
    %mul3A_210 = arith.muli %arg1, %mul3A_209 : i32
    "tpu.region"() ({
      %run_scoped3A_211 = tpu.sem_alloc : memref<!tpu.dma_semaphore, #tpu.memory_space<semaphore_mem>>
      %dma_start3A_212 = arith.constant 0 : i32
      %dma_start3A_213 = tpu.memref_slice %arg5[%arg0, %mul3A_210, %dma_start3A_212] : memref<2x10112x128xf32, #tpu.memory_space<hbm>> -> memref<1x632x128xf32, #tpu.memory_space<hbm>>
      %dma_start3A_214 = tpu.memref_squeeze %dma_start3A_213 : memref<1x632x128xf32, #tpu.memory_space<hbm>> -> memref<632x128xf32, #tpu.memory_space<hbm>>
      %dma_start3A_215 = arith.constant 0 : i32
      %dma_start3A_216 = tpu.memref_slice %arg8[%mul3A_208, %dma_start3A_215] : memref<10112x128xf32, #tpu.memory_space<vmem_shared>> -> memref<632x128xf32, #tpu.memory_space<vmem_shared>>
      tpu.enqueue_dma source(%dma_start3A_216 : memref<632x128xf32, #tpu.memory_space<vmem_shared>>) target(%dma_start3A_214 : memref<632x128xf32, #tpu.memory_space<hbm>>) target_semaphore(%run_scoped3A_211 : memref<!tpu.dma_semaphore, #tpu.memory_space<semaphore_mem>>)
      %dma_wait3A_217 = arith.constant 0 : i32
      %dma_wait3A_218 = tpu.memref_slice %arg5[%arg0, %mul3A_210, %dma_wait3A_217] : memref<2x10112x128xf32, #tpu.memory_space<hbm>> -> memref<1x632x128xf32, #tpu.memory_space<hbm>>
      %dma_wait3A_219 = tpu.memref_squeeze %dma_wait3A_218 : memref<1x632x128xf32, #tpu.memory_space<hbm>> -> memref<632x128xf32, #tpu.memory_space<hbm>>
      %dma_wait3A_220 = arith.constant 0 : i32
      %dma_wait3A_221 = tpu.memref_slice %arg8[%mul3A_208, %dma_wait3A_220] : memref<10112x128xf32, #tpu.memory_space<vmem_shared>> -> memref<632x128xf32, #tpu.memory_space<vmem_shared>>
      tpu.wait_dma2 semaphore(%run_scoped3A_211 : memref<!tpu.dma_semaphore, #tpu.memory_space<semaphore_mem>>) src(%dma_wait3A_221 : memref<632x128xf32, #tpu.memory_space<vmem_shared>>) dst(%dma_wait3A_219 : memref<632x128xf32, #tpu.memory_space<hbm>>)
      tpu.yield
    }) : () -> ()
    return
  }
}

module attributes {stable_mosaic.version = 14 : i64} {
  func.func @_matmul_body(%arg0: i32, %arg1: memref<400x128xf32, #tpu.memory_space<vmem>>, %arg2: memref<400x1xf32, #tpu.memory_space<vmem>>, %arg3: memref<128x128xf32, #tpu.memory_space<vmem>>, %arg4: memref<400x128xf32, #tpu.memory_space<vmem>>) attributes {dimension_semantics = [#tpu.dimension_semantics<arbitrary>], iteration_bounds = array<i64: 25>, scalar_prefetch = 0 : i64, scratch_operands = 0 : i64, tpu.core_type = #tpu.core_type<tc>, window_params = [{transform_indices = @transform_0, window_bounds = array<i64: 400, 128>}, {transform_indices = @transform_1, window_bounds = array<i64: 400, 1>}, {pipeline_mode = #tpu.pipeline_mode<synchronous>, transform_indices = @transform_2, window_bounds = array<i64: 128, 128>}, {transform_indices = @transform_3, window_bounds = array<i64: 400, 128>}]} {
    %get3A = arith.constant 0 : index
    %get3A_0 = arith.constant 0 : index
    %get3A_1 = vector.load %arg1[%get3A, %get3A_0] : memref<400x128xf32, #tpu.memory_space<vmem>>, vector<400x128xf32>
    %get3A_2 = arith.constant 0 : index
    %get3A_3 = arith.constant 0 : index
    %get3A_4 = vector.load %arg2[%get3A_2, %get3A_3] : memref<400x1xf32, #tpu.memory_space<vmem>>, vector<400x1xf32>
    %mul3A = vector.broadcast %get3A_4 : vector<400x1xf32> to vector<400x128xf32>
    %mul3A_5 = arith.mulf %get3A_1, %mul3A : vector<400x128xf32>
    %get3A_6 = arith.constant 0 : index
    %get3A_7 = arith.constant 0 : index
    %get3A_8 = vector.load %arg3[%get3A_6, %get3A_7] : memref<128x128xf32, #tpu.memory_space<vmem>>, vector<128x128xf32>
    %dot_general3A = arith.constant dense<0.000000e+00> : vector<400x128xf32>
    %dot_general3A_9 = tpu.matmul %mul3A_5, %get3A_8, %dot_general3A {dimension_numbers = #tpu.dot_dimension_numbers<[1], [0], [0], [1], [0, 0, 1, 1], [], []>, transpose_lhs_hint = false} : vector<400x128xf32>, vector<128x128xf32>, vector<400x128xf32> -> vector<400x128xf32>
    %swap3A = arith.constant 0 : index
    %swap3A_10 = arith.constant 0 : index
    %swap3A_11 = vector.load %arg4[%swap3A, %swap3A_10] : memref<400x128xf32, #tpu.memory_space<vmem>>, vector<400x128xf32>
    tpu.vector_store %arg4[%swap3A, %swap3A_10], %dot_general3A_9 {strides = array<i32>} : memref<400x128xf32, #tpu.memory_space<vmem>>, vector<400x128xf32>,
    return
  }
  func.func @transform_0(%arg0: i32) -> (i32, i32) {
    %c0_i32 = arith.constant 0 : i32
    %c0_i32_0 = arith.constant 0 : i32
    return %arg0, %c0_i32 : i32, i32
  }
  func.func @transform_1(%arg0: i32) -> (i32, i32) {
    %c0_i32 = arith.constant 0 : i32
    %c0_i32_0 = arith.constant 0 : i32
    return %arg0, %c0_i32 : i32, i32
  }
  func.func @transform_2(%arg0: i32) -> (i32, i32) {
    %c0_i32 = arith.constant 0 : i32
    %c0_i32_0 = arith.constant 0 : i32
    %c0_i32_1 = arith.constant 0 : i32
    return %c0_i32, %c0_i32_0 : i32, i32
  }
  func.func @transform_3(%arg0: i32) -> (i32, i32) {
    %c0_i32 = arith.constant 0 : i32
    %c0_i32_0 = arith.constant 0 : i32
    return %arg0, %c0_i32 : i32, i32
  }
}

module attributes {stable_mosaic.version = 14 : i64} {
  func.func @_merge_body(%arg0: i32, %arg1: memref<1x400x128xf32, #tpu.memory_space<vmem>>, %arg2: memref<1x400x128xf32, #tpu.memory_space<vmem>>, %arg3: memref<400x128xf32, #tpu.memory_space<vmem>>, %arg4: memref<400x1xf32, #tpu.memory_space<vmem>>, %arg5: memref<1x128xf32, #tpu.memory_space<vmem>>, %arg6: memref<400x128xf32, #tpu.memory_space<vmem>>) attributes {dimension_semantics = [#tpu.dimension_semantics<arbitrary>], iteration_bounds = array<i64: 25>, scalar_prefetch = 0 : i64, scratch_operands = 0 : i64, tpu.core_type = #tpu.core_type<tc>, window_params = [{transform_indices = @transform_0, window_bounds = array<i64: 1, 400, 128>}, {transform_indices = @transform_1, window_bounds = array<i64: 1, 400, 128>}, {transform_indices = @transform_2, window_bounds = array<i64: 400, 128>}, {transform_indices = @transform_3, window_bounds = array<i64: 400, 1>}, {pipeline_mode = #tpu.pipeline_mode<synchronous>, transform_indices = @transform_4, window_bounds = array<i64: 1, 128>}, {transform_indices = @transform_5, window_bounds = array<i64: 400, 128>}]} {
    %get3A = arith.constant 0 : index
    %get3A_0 = arith.constant 0 : index
    %get3A_1 = vector.load %arg4[%get3A, %get3A_0] : memref<400x1xf32, #tpu.memory_space<vmem>>, vector<400x1xf32>
    %get3A_2 = arith.constant 0 : index
    %get3A_3 = arith.constant 0 : index
    %get3A_4 = arith.constant 0 : index
    %get3A_5 = vector.load %arg1[%get3A_2, %get3A_3, %get3A_4] : memref<1x400x128xf32, #tpu.memory_space<vmem>>, vector<1x400x128xf32>
    %get3A_6 = vector.shape_cast %get3A_5 : vector<1x400x128xf32> to vector<400x128xf32>
    %get3A_7 = arith.constant 0 : index
    %get3A_8 = arith.constant 0 : index
    %get3A_9 = arith.constant 0 : index
    %get3A_10 = vector.load %arg2[%get3A_7, %get3A_8, %get3A_9] : memref<1x400x128xf32, #tpu.memory_space<vmem>>, vector<1x400x128xf32>
    %get3A_11 = vector.shape_cast %get3A_10 : vector<1x400x128xf32> to vector<400x128xf32>
    %add3A = arith.addf %get3A_6, %get3A_11 : vector<400x128xf32>
    %get3A_12 = arith.constant 0 : index
    %get3A_13 = arith.constant 0 : index
    %get3A_14 = vector.load %arg3[%get3A_12, %get3A_13] : memref<400x128xf32, #tpu.memory_space<vmem>>, vector<400x128xf32>
    %add3A_15 = arith.addf %add3A, %get3A_14 : vector<400x128xf32>
    %mul3A = vector.broadcast %get3A_1 : vector<400x1xf32> to vector<400x128xf32>
    %mul3A_16 = arith.mulf %mul3A, %add3A_15 : vector<400x128xf32>
    %get3A_17 = arith.constant 0 : index
    %get3A_18 = arith.constant 0 : index
    %get3A_19 = vector.load %arg5[%get3A_17, %get3A_18] : memref<1x128xf32, #tpu.memory_space<vmem>>, vector<1x128xf32>
    %add3A_20 = vector.broadcast %get3A_19 : vector<1x128xf32> to vector<400x128xf32>
    %add3A_21 = arith.addf %mul3A_16, %add3A_20 : vector<400x128xf32>
    %swap3A = arith.constant 0 : index
    %swap3A_22 = arith.constant 0 : index
    %swap3A_23 = vector.load %arg6[%swap3A, %swap3A_22] : memref<400x128xf32, #tpu.memory_space<vmem>>, vector<400x128xf32>
    tpu.vector_store %arg6[%swap3A, %swap3A_22], %add3A_21 {strides = array<i32>} : memref<400x128xf32, #tpu.memory_space<vmem>>, vector<400x128xf32>,
    return
  }
  func.func @transform_0(%arg0: i32) -> (i32, i32, i32) {
    %c0_i32 = arith.constant 0 : i32
    %c0_i32_0 = arith.constant 0 : i32
    %c0_i32_1 = arith.constant 0 : i32
    return %c0_i32, %arg0, %c0_i32_0 : i32, i32, i32
  }
  func.func @transform_1(%arg0: i32) -> (i32, i32, i32) {
    %c1_i32 = arith.constant 1 : i32
    %c0_i32 = arith.constant 0 : i32
    %c0_i32_0 = arith.constant 0 : i32
    return %c1_i32, %arg0, %c0_i32 : i32, i32, i32
  }
  func.func @transform_2(%arg0: i32) -> (i32, i32) {
    %c0_i32 = arith.constant 0 : i32
    %c0_i32_0 = arith.constant 0 : i32
    return %arg0, %c0_i32 : i32, i32
  }
  func.func @transform_3(%arg0: i32) -> (i32, i32) {
    %c0_i32 = arith.constant 0 : i32
    %c0_i32_0 = arith.constant 0 : i32
    return %arg0, %c0_i32 : i32, i32
  }
  func.func @transform_4(%arg0: i32) -> (i32, i32) {
    %c0_i32 = arith.constant 0 : i32
    %c0_i32_0 = arith.constant 0 : i32
    %c0_i32_1 = arith.constant 0 : i32
    return %c0_i32, %c0_i32_0 : i32, i32
  }
  func.func @transform_5(%arg0: i32) -> (i32, i32) {
    %c0_i32 = arith.constant 0 : i32
    %c0_i32_0 = arith.constant 0 : i32
    return %arg0, %c0_i32 : i32, i32
  }
}

</mosaic_0001>

<sc_bundles>
// kernel: kernel.6.cloned.1.call-start
scs
__scs_entry_jumppad:
0x0: {  	(pc) =	sbr.rel $0x88, $3  }
0x1: {  	(tag) =	ssettag $0x0;
	lr =	simm.s32 $0x1  }
0x2: {  	[smem:$0x3F9D] =	sst lr;
	_ =	strace $0xD0000000  }
0x3: {  	_ = 	snop  }
0x4: {  	_ = 	snop  }
0x5: {  	_ = 	snop  }
0x6: {  	_ = 	snop  }
0x7: {  	_ = 	snop  }
__scs_overlays_trampoline_lowered:
0x8: {  	[smem:$0x3FAC] =	sst s0  }
0x9: {  	[smem:$0x3FAD] =	sst s1  }
0xa: {  	[smem:$0x3FAE] =	sst s2  }
0xb: {  	[smem:$0x3FAF] =	sst s3  }
0xc: {  	[smem:$0x3FB0] =	sst s4  }
0xd: {  	[smem:$0x3FB1] =	sst s5  }
0xe: {  	[smem:$0x3FB2] =	sst s6  }
0xf: {  	[smem:$0x3FB3] =	sst s7  }
0x10: {  	[smem:$0x3FB4] =	sst s8  }
0x11: {  	[smem:$0x3FB5] =	sst s9;
	s0 =	simm.s32 @!p0 $0x0  }
0x12: {  	s1 =	sld [smem:$0x3F9B];
	s0 =	simm.s32 @p0 $0x1  }
0x13: {  	[smem:$0x3FB6] =	sst s0;
	s0 =	simm.s32 @!p1 $0x0  }
0x14: {  	s2 =	sld [smem:$0x3F9A];
	s0 =	simm.s32 @p1 $0x1  }
0x15: {  	[smem:$0x3FB7] =	sst s0;
	s0 =	simm.s32 @!p2 $0x0  }
0x16: {  	s3 =	sld [smem:$0x3FDB];
	s0 =	simm.s32 @p2 $0x1  }
0x17: {  	s4 =	simm.s32 $0x1BF5;
	[smem:$0x3FB9] =	sst s0  }
0x18: {  	s0 =	sld [smem:$0x3F9C];
	_ =	swait.ge [sflag:s4], $0x0  }
0x19: {  	s7 =	sld [smem:$0x3F9D]  }
0x1a: {  	s8 =	sadd.s32 $0xFFFFE003, lr  }
0x1b: {  	s9 =	sadd.s32 $0xFFFFFEF7, lr;
	s5 =	simm.s32 $0xFFFFFFFF;
	p2 =	slt.u32 s8, $0xFFFFF086  }
0x1c: {  	p1 =	slt.u32 s9, $0xF7A;
	s5 =	simm.s32 @!p2 $0x0  }
0x1d: {  	s5 =	simm.s32 @p1 $0x1;
	p0 =	seq.s32 s7, s2  }
0x1e: {  	s7 =	smul.u32 @!p0 $0xF7A, s2;
	p2 =	seq.s32 @!p0 s5, $0x0  }
0x1f: {  	s9 =	smul.u32 $0xF7A, s1;
	s8 =	simm.s32 @!p0 $0x1BF5;
	p2 =	por !p2, p0  }
0x20: {  	[sflag:s8] =	ssyncset.s32 @!p0 $0xFFFFF086;
	s6 =	sadd.s32 @!p0 s3, s7;
	s7 =	simm.s32 @!p0 $0x108  }
0x21: {  	s3 =	sadd.s32 s3, s9;
	s6 =	sadd.s32 @!p0 $0x88, s6;
	s7 =	simm.s32 @p2 $0x1082  }
0x22: {  	[simem:s7], [sflag:s8] =	dma.local @!p0 [hbm:s6], $0xF7A  }
0x23: {  	s9 =	sor.u32 $0xD0000000, s2;
	s6 =	simm.s32 $0x108;
	_ =	swait.ge @!p0 [sflag:s8], $0x0  }
0x24: {  	s3 =	sadd.s32 $0x88, s3;
	s6 =	simm.s32 @!p1 $0x1082;
	[sflag:s4] =	ssyncset.s32 $0xFFFFF086  }
0x25: {  	[simem:s6], [sflag:s4] =	dma.local [hbm:s3], $0xF7A  }
0x26: {  	[smem:$0x3F9D] =	sst s1;
	(tag) =	ssettag s2;
	_ =	strace s9  }
0x27: {  	s1 =	sld [smem:$0x3FAD]  }
0x28: {  	s2 =	sld [smem:$0x3FAE]  }
0x29: {  	s4 =	sld [smem:$0x3FB0]  }
0x2a: {  	p0 =	seq.s32 s5, $0x0;
	s5 =	sld [smem:$0x3FB1]  }
0x2b: {  	s6 =	sld [smem:$0x3FB2]  }
0x2c: {  	s7 =	sld [smem:$0x3FB3]  }
0x2d: {  	s3 =	simm.s32 $0x108;
	s8 =	sld [smem:$0x3FB4]  }
0x2e: {  	s3 =	simm.s32 @!p0 $0x1082;
	s9 =	sld [smem:$0x3FB5]  }
0x2f: {  	lr =	sadd.s32 s0, s3;
	s0 =	sld [smem:$0x3FAC]  }
0x30: {  	s3 =	sld [smem:$0x3FAF]  }
0x31: {  	[smem:$0x3FB8] =	sst s10  }
0x32: {  	s10 =	sld [smem:$0x3FB6];
	_ =	sdelay $0x3  }
0x33: {  	p0 =	seq.s32 s10, $0x1;
	s10 =	sld [smem:$0x3FB8];
	_ =	sdelay $0x3  }
0x34: {  	[smem:$0x3FB8] =	sst s10  }
0x35: {  	s10 =	sld [smem:$0x3FB7];
	_ =	sdelay $0x3  }
0x36: {  	p1 =	seq.s32 s10, $0x1;
	s10 =	sld [smem:$0x3FB8];
	_ =	sdelay $0x3  }
0x37: {  	[smem:$0x3FB8] =	sst s10  }
0x38: {  	s10 =	sld [smem:$0x3FB9]  }
0x39: {  	_ = 	snop;
	(pc) =	sbr.ind lr, $3  }
0x3a: {  	_ = 	snop  }
0x3b: {  	_ = 	snop  }
0x3c: {  	p2 =	seq.s32 s10, $0x1;
	s10 =	sld [smem:$0x3FB8]  }
0x3d: {  	_ =	shalt  }
0x3e: {  	_ =	shalt  }
0x3f: {  	_ =	shalt  }
0x40: {  	_ =	shalt  }
0x41: {  	_ =	shalt  }
0x42: {  	_ =	shalt  }
0x43: {  	_ =	shalt  }
0x44: {  	_ =	shalt  }
0x45: {  	_ =	shalt  }
0x46: {  	_ =	shalt  }
0x47: {  	_ =	shalt  }
0x48: {  	_ =	shalt  }
0x49: {  	_ =	shalt  }
0x4a: {  	_ =	shalt  }
0x4b: {  	_ =	shalt  }
0x4c: {  	_ =	shalt  }
0x4d: {  	_ =	shalt  }
0x4e: {  	_ =	shalt  }
0x4f: {  	_ =	shalt  }
0x50: {  	_ =	shalt  }
0x51: {  	_ =	shalt  }
0x52: {  	_ =	shalt  }
0x53: {  	_ =	shalt  }
0x54: {  	_ =	shalt  }
0x55: {  	_ =	shalt  }
0x56: {  	_ =	shalt  }
0x57: {  	_ =	shalt  }
0x58: {  	_ =	shalt  }
0x59: {  	_ =	shalt  }
0x5a: {  	_ =	shalt  }
0x5b: {  	_ =	shalt  }
0x5c: {  	_ =	shalt  }
0x5d: {  	_ =	shalt  }
0x5e: {  	_ =	shalt  }
0x5f: {  	_ =	shalt  }
0x60: {  	_ =	shalt  }
0x61: {  	_ =	shalt  }
0x62: {  	_ =	shalt  }
0x63: {  	_ =	shalt  }
0x64: {  	_ =	shalt  }
0x65: {  	_ =	shalt  }
0x66: {  	_ =	shalt  }
0x67: {  	_ =	shalt  }
0x68: {  	_ =	shalt  }
0x69: {  	_ =	shalt  }
0x6a: {  	_ =	shalt  }
0x6b: {  	_ =	shalt  }
0x6c: {  	_ =	shalt  }
0x6d: {  	_ =	shalt  }
0x6e: {  	_ =	shalt  }
0x6f: {  	_ =	shalt  }
0x70: {  	_ =	shalt  }
0x71: {  	_ =	shalt  }
0x72: {  	_ =	shalt  }
0x73: {  	_ =	shalt  }
0x74: {  	_ =	shalt  }
0x75: {  	_ =	shalt  }
0x76: {  	_ =	shalt  }
0x77: {  	_ =	shalt  }
0x78: {  	_ =	shalt  }
0x79: {  	_ =	shalt  }
0x7a: {  	_ =	shalt  }
0x7b: {  	_ =	shalt  }
0x7c: {  	_ =	shalt  }
0x7d: {  	_ =	shalt  }
0x7e: {  	_ =	shalt  }
0x7f: {  	_ =	shalt  }
0x80: {  	_ =	shalt  }
0x81: {  	_ =	shalt  }
0x82: {  	_ =	shalt  }
0x83: {  	_ =	shalt  }
0x84: {  	_ =	shalt  }
0x85: {  	_ =	shalt  }
0x86: {  	_ =	shalt  }
0x87: {  	_ =	shalt  }
.Lfunc_end0:
.L_simem_size_0:
called_computation_lowered:
.L_overlay_start_0:
0x88: {  	s2 =	sld [smem:$0x3FD9]  }
0x89: {  	s3 =	sld [smem:$0x3FFE];
	_ =	sdelay $0x1  }
0x8a: {  	s1 =	srdreg.scid  }
0x8b: {  	s0 =	sand.u32 $0x1, s1  }
0x8c: {  	s17 =	sshll.u32 s0, $0xA;
	s2 =	sadd.s32 s3, s2  }
0x8d: {  	s2 =	sadd.s32 s2, s17  }
0x8e: {  	[smem:$0x3FC4] =	sst s2  }
0x8f: {  	_ = 	snop  }
0x90: {  	s2 =	sld [smem:$0x3FD0];
	(tm) =	ssettm $0x1  }
0x91: {  	s18 =	sld [smem:$0x3FFB];
	_ =	sdelay $0x3  }
0x92: {  	_ =	strace s18  }
0x93: {  	s3 =	sld [smem:$0x3FFC];
	_ =	sdelay $0x3  }
0x94: {  	_ =	strace s3  }
0x95: {  	s3 =	sld [smem:$0x3FFD];
	_ =	sdelay $0x3  }
0x96: {  	_ =	strace s3  }
0x97: {  	_ =	strace $0x8FFFFFFF  }
0x98: {  	s19 =	sld [smem:$0x3FDB];
	_ =	sdelay $0x1  }
0x99: {  	s4 =	simm.s32 $_scs_section_size  }
0x9a: {  	s5 =	simm.s32 $_size__tile_overlayer_lowered;
	s6 =	simm.s32 $_tile_overlayer_lowered  }
0x9b: {  	s22 =	simm.s32 $0x1BFF;
	s21 =	sshll.u32 s6, $0x1;
	s3 =	sadd.s32 s4, s19  }
0x9c: {  	s7 =	simm.s32 $0x0;
	s20 =	sshll.u32 s5, $0x1;
	s5 =	sadd.s32 s21, s3  }
0x9d: {  	[timem:s7], [sflag:s22] =	dma.local [hbm:s5], s20  }
0x9e: {  	_ =	swait.ge [sflag:s22], s20  }
0x9f: {  	s4 =	ssub.s32 $0x0, s20;
	[sflag:s22] =	ssyncset.done $0x0  }
0xa0: {  	[sflag:s22] =	ssyncadd.s32 s4;
	_ =	sdelay $0x1  }
0xa1: {  	s23 =	simm.s32 $0x1B8B  }
0xa2: {  	_ =	swait.ge [sflag:s23], $0x1  }
0xa3: {  	[sflag:s23] =	ssyncset.done $0x0  }
0xa4: {  	s25 =	simm.s32 $0x1B8E;
	s24 =	sld [smem:$0x3FFE];
	[sflag:s23] =	ssyncadd.s32 $0xFFFFFFFF  }
0xa5: {  	s26 =	simm.s32 $execute0_lowered;
	[smem:$0x3FD2] =	sst s25  }
0xa6: {  	s5 =	sshll.u32 s26, $0x1;
	_ =	strace $0x80000046;
	[dreg:$0x1] =	wrdreg $0xFFFFFFFF  }
0xa7: {  	s28 =	simm.s32 $_size_execute0_lowered;
	s3 =	sadd.s32 s3, s5;
	[dreg:$0x0] =	wrdreg $0x0  }
0xa8: {  	s5 =	sshll.u32 s28, $0x1;
	[dreg:$0x2] =	wrdreg s3  }
0xa9: {  	[dreg:$0x3] =	wrdreg s5  }
0xaa: {  	[dreg:$0x4] =	wrdreg $0xC0  }
0xab: {  	_ =	task [dreg:s7], $0x5FFFF  }
0xac: {  	[dreg:$0x1] =	wrdreg $0xFFFFFFFF  }
0xad: {  	[dreg:$0x0] =	wrdreg $0x60  }
0xae: {  	[dreg:$0x2] =	wrdreg s2  }
0xaf: {  	[dreg:$0x3] =	wrdreg s24  }
0xb0: {  	[dreg:$0x4] =	wrdreg $0xA1000  }
0xb1: {  	[dreg:$0x5] =	wrdreg $0x9  }
0xb2: {  	_ =	task.clear_ibuf [dreg:s7], $0x6FFFF;
	_ =	strace $0x90000046  }
0xb3: {  	s29 =	simm.s32 $0x9;
	_ =	strace $0x80000048  }
0xb4: {  	_ =	swait.ge [sflag:s29], $0x1  }
0xb5: {  	[sflag:s29] =	ssyncadd.s32 $0xFFFFFFFF  }
0xb6: {  	_ =	strace $0x90000048  }
0xb7: {  	_ =	sfence  }
0xb8: {  	s30 =	sld [smem:$0x0];
	_ =	sdelay $0x2  }
0xb9: {  	s31 =	sshll.u32 s1, $0xD;
	s1 =	sshrl.u32 s1, $0x2  }
0xba: {  	s3 =	sand.u32 $0x4000, s31;
	s1 =	sadd.s32 s1, s30  }
0xbb: {  	s0 =	sor.u32 s3, s0;
	s1 =	sshll.u32 s1, $0x11  }
0xbc: {  	s0 =	sor.u32 s1, s0  }
0xbd: {  	s0 =	sadd.s32 $0x8F2B, s0  }
0xbe: {  	[sflag:s0] =	ssyncadd.remote.s32 $0x1  }
0xbf: {  	_ =	sfence.sel $0xFFFF  }
0xc0: {  	[dreg:$0x0] =	wrdreg $0xFFFFFFFF;
	(pc) =	sbr.abs _section_cstart, $3  }
0xc1: {  	[dreg:$0x1] =	wrdreg $0xFFFFFFFF  }
0xc2: {  	_ =	task.clear_ibuf [dreg:s7], $0x2FFFF;
	_ =	strace $0x9FFFFFFF  }
0xc3: {  	(tm) =	ssettm $0x7FFFFFFF  }
tec
execute0_lowered:
.L_overlay_start_1:
0x0: {  	(tag) =	ssettag $0x1  }
0x1: {  	s3 =	rddreg [dreg:$0x0]  }
0x2: {  	s4 =	rddreg [dreg:$0x1]  }
0x3: {  	s5 =	rddreg [dreg:$0x2]  }
0x4: {  	s0 =	rddreg [dreg:$0x3]  }
0x5: {  	s2 =	simm.s32 $0x0;
	s1 =	stileid.u32;
	s6 =	srdreg.scid  }
0x6: {  	s11 =	simm.s32 $0x400;
	s12 =	simm.s32 $0x1400;
	s13 =	simm.s32 $0x14000  }
0x7: {  	s14 =	simm.s32 $0x7900;
	[smem:$0x7FF] =	sst s2;
	s7 =	smul.u32 $0x50, s1  }
0x8: {  	s15 =	sand.u32 $0x1, s6;
	s8 =	smul.u32 $0x9C4, s1;
	s9 =	sshrl.u32 s1, $0x3  }
0x9: {  	s28 =	smul.u32 $0x5000, s1;
	s29 =	sshll.u32 s1, $0x7;
	s6 =	ssub.s32 $0x2, s15  }
0xa: {  	_ =	strace $0x80000047;
	s9 =	smul.u32 $0x50000, s9;
	p0 =	sne.s32 s15, $0x0  }
0xb: {  	s10 =	sshrl.u32 s6, $0x1;
	s7 =	sadd.s32 s7, s4;
	s3 =	sadd.s32 s3, s8  }
0xc: {  	s31 =	sshrl.u32 s28, $0x2;
	s10 =	ssub.s32 s6, s10;
	s30 =	sshrl.u32 s9, $0x2  }
0xd: {  	s6 =	sand.u32 $0x380, s29;
	s9 =	simm.s32 $0x4E80;
	s8 =	sadd.s32 s30, s5  }
0xe: {  	s5 =	sadd.s32 s31, s5;
	s4 =	sadd.s32 s6, s8;
	s6 =	sadd.s32 $0x1400, s7  }
0xf: {  	v0 =	vimm.f32 $0.0e+00;
	v1 =	vimm.f32 $1.000000000e+00;
	s7 =	smax.u32 s10, $0x1;
	s8 =	simm.s32 $0x1;
	s10 =	simm.s32 $0x80  }
.LBB2_1:
0x10: {  	s15 =	simm.s32 $0x40;
	s16 =	simm.s32 $0x0  }
.LBB2_2:
0x11: {  	p1 =	sne.s32 s15, $0x9FC0;
	[tilespmem:s16+$0x4E80] =	vst v0;
	s16 =	smov.u32 s15;
	s15 =	sadd.s32 $0x40, s15  }
.Ltmp0:
0x12: {  	(pc) =	sbr.rel @p1 .LBB2_2-.Ltmp0, $2  }
0x13: {  	_ =	sdelay $0x2  }
0x14: {  	s16 =	sshra.s32 s16, $0x2  }
0x15: {  	[tilespmem:s16+$0x4E80] =	vst v0;
	s15 =	simm.s32 $0x0  }
0x16: {  	[tilespmem:s15], [sflag:$0x1] =	stream.linear.gather [hbm4b:s3+s15], $0x4E20, $0x38;
	[tilespmem:$0xC900] =	vst v63  }
0x17: {  	_ =	swait.ge [sflag:s8], $0x4E20  }
0x18: {  	[sflag:s8] =	ssyncset.done $0x0  }
0x19: {  	s16 =	simm.s32 $0x50;
	[sflag:s8] =	ssyncadd.s32 $0xFFFFB1E0  }
.LBB2_4:
0x1a: {  	v2 =	vld [tilespmem:s16+$0xFFFFFFB0];
	_ =	sdelay $0x7  }
0x1b: {  	[tilespmem:v2+s9+$0x0] =	vst.idx.add.f32.msk $0xffff, v1  }
0x1c: {  	v2 =	vld [tilespmem:s16+$0xFFFFFFC0];
	_ =	sdelay $0x7  }
0x1d: {  	[tilespmem:v2+s9+$0x0] =	vst.idx.add.f32.msk $0xffff, v1  }
0x1e: {  	v2 =	vld [tilespmem:s16+$0xFFFFFFD0];
	_ =	sdelay $0x7  }
0x1f: {  	[tilespmem:v2+s9+$0x0] =	vst.idx.add.f32.msk $0xffff, v1  }
0x20: {  	v2 =	vld [tilespmem:s16+$0xFFFFFFE0];
	_ =	sdelay $0x7  }
0x21: {  	[tilespmem:v2+s9+$0x0] =	vst.idx.add.f32.msk $0xffff, v1  }
0x22: {  	v2 =	vld [tilespmem:s16+$0xFFFFFFF0];
	_ =	sdelay $0x7  }
0x23: {  	[tilespmem:v2+s9+$0x0] =	vst.idx.add.f32.msk $0xffff, v1  }
0x24: {  	v2 =	vld [tilespmem:s16+$0x0];
	_ =	sdelay $0x7  }
0x25: {  	[tilespmem:v2+s9+$0x0] =	vst.idx.add.f32.msk $0xffff, v1  }
0x26: {  	v2 =	vld [tilespmem:s16+$0x10];
	_ =	sdelay $0x7  }
0x27: {  	[tilespmem:v2+s9+$0x0] =	vst.idx.add.f32.msk $0xffff, v1  }
0x28: {  	v2 =	vld [tilespmem:s16+$0x20];
	_ =	sdelay $0x7  }
0x29: {  	s17 =	sand.u32 $0x7FE0, s15;
	[tilespmem:v2+s9+$0x0] =	vst.idx.add.f32.msk $0xffff, v1  }
0x2a: {  	v2 =	vld [tilespmem:s17+$0x80];
	_ =	sdelay $0x7  }
0x2b: {  	[tilespmem:v2+s9+$0x0] =	vst.idx.add.f32.msk $0xffff, v1  }
0x2c: {  	v2 =	vld [tilespmem:s16+$0x40];
	_ =	sdelay $0x2  }
0x2d: {  	p1 =	sne.s32 s15, $0x4D80  }
.Ltmp1:
0x2e: {  	_ = 	snop;
	(pc) =	sbr.rel @p1 .LBB2_4-.Ltmp1, $2  }
0x2f: {  	_ =	sdelay $0x2  }
0x30: {  	s15 =	sadd.s32 $0xA0, s15;
	s16 =	sadd.s32 $0xA0, s16;
	[tilespmem:v2+s9+$0x0] =	vst.idx.add.f32.msk $0xffff, v1  }
0x31: {  	[spmem:s4] =	stream.strided.scatter [tilespmem:s9], [sflag:$0x1], $0x2800, s11, s10, $0x38;
	[tilespmem:$0xC900] =	vst v63  }
0x32: {  	_ =	swait.ge [sflag:s8], $0x2800  }
0x33: {  	[sflag:s8] =	ssyncset.done $0x0  }
0x34: {  	[sflag:s8] =	ssyncadd.s32 $0xFFFFD800  }
0x35: {  	[bflag:$0x0] =	sbarrier.arrive $0xFFFF  }
0x36: {  	[tilespmem:s14], [sflag:$0x1] =	stream.strided.gather [spmem:s5], $0x2800, s13, s12, $0x38;
	[tilespmem:$0xC900] =	vst v63  }
0x37: {  	s15 =	simm.s32 $0x0;
	_ =	swait.ge [sflag:s8], $0x2800  }
0x38: {  	s16 =	sand.u32 $0x70, s15;
	s15 =	sand.u32 $0x1C00, s15;
	[sflag:s8] =	ssyncset.done $0x0  }
0x39: {  	s15 =	sor.u32 s16, s15;
	[sflag:s8] =	ssyncadd.s32 $0xFFFFD800  }
0x3a: {  	v2 =	vld [tilespmem:s15+$0x7900];
	_ =	sdelay $0x1  }
0x3b: {  	v3 =	vld [tilespmem:s15+$0x7980];
	_ =	sdelay $0x1  }
0x3c: {  	v4 =	vld [tilespmem:s15+$0x7A00]  }
0x3d: {  	v2 =	vadd.f32 $1.000000000e+00, v2  }
0x3e: {  	v5 =	vld [tilespmem:s15+$0x7A80]  }
0x3f: {  	v2 =	vadd.f32 v3, v2  }
0x40: {  	v3 =	vld [tilespmem:s15+$0x7B00]  }
0x41: {  	v2 =	vadd.f32 v4, v2  }
0x42: {  	v55 =	vld [tilespmem:s15+$0x7B80]  }
0x43: {  	v2 =	vadd.f32 v5, v2  }
0x44: {  	v56 =	vld [tilespmem:s15+$0x7C00]  }
0x45: {  	v2 =	vadd.f32 v3, v2  }
0x46: {  	v3 =	vld [tilespmem:s15+$0x7C80]  }
0x47: {  	v2 =	vadd.f32 v55, v2  }
0x48: {  	v57 =	vld [tilespmem:s15+$0x8D00]  }
0x49: {  	v2 =	vadd.f32 v56, v2  }
0x4a: {  	v58 =	vld [tilespmem:s15+$0x8D80]  }
0x4b: {  	v2 =	vadd.f32 v3, v2  }
0x4c: {  	v3 =	vld [tilespmem:s15+$0x8E00]  }
0x4d: {  	v2 =	vadd.f32 v57, v2  }
0x4e: {  	v59 =	vld [tilespmem:s15+$0x8E80]  }
0x4f: {  	v2 =	vadd.f32 v58, v2  }
0x50: {  	v60 =	vld [tilespmem:s15+$0x8F00]  }
0x51: {  	v2 =	vadd.f32 v3, v2  }
0x52: {  	v3 =	vld [tilespmem:s15+$0x8F80]  }
0x53: {  	v2 =	vadd.f32 v59, v2  }
0x54: {  	v61 =	vld [tilespmem:s15+$0x9000]  }
0x55: {  	v2 =	vadd.f32 v60, v2  }
0x56: {  	v62 =	vld [tilespmem:s15+$0x9080]  }
0x57: {  	v2 =	vadd.f32 v3, v2;
	_ =	sdelay $0x1  }
0x58: {  	v2 =	vadd.f32 v61, v2;
	_ =	sdelay $0x1  }
0x59: {  	v2 =	vadd.f32 v62, v2;
	_ =	sdelay $0x1  }
0x5a: {  	v3 =	vshra.s32 v2, $0x1;
	v2 =	vmul.f32 $5.000000000e-01, v2  }
0x5b: {  	v3 =	vsub.s32 $0x5F3759DF, v3  }
0x5c: {  	v63 =	vmul.f32 v3, v2;
	_ =	sdelay $0x1  }
0x5d: {  	v4 =	vmul.f32 v3, v63;
	_ =	sdelay $0x1  }
0x5e: {  	v4 =	vsub.f32 $1.500000000e+00, v4;
	_ =	sdelay $0x1  }
0x5f: {  	v3 =	vmul.f32 v3, v4;
	_ =	sdelay $0x1  }
0x60: {  	v4 =	vmul.f32 v3, v2;
	_ =	sdelay $0x1  }
0x61: {  	v4 =	vmul.f32 v4, v3;
	_ =	sdelay $0x1  }
0x62: {  	v4 =	vsub.f32 $1.500000000e+00, v4;
	_ =	sdelay $0x1  }
0x63: {  	v3 =	vmul.f32 v4, v3;
	_ =	sdelay $0x1  }
0x64: {  	v2 =	vmul.f32 v3, v2;
	_ =	sdelay $0x1  }
0x65: {  	v2 =	vmul.f32 v2, v3;
	_ =	sdelay $0x1  }
0x66: {  	v2 =	vsub.f32 $1.500000000e+00, v2  }
0x67: {  	s17 =	simm.s32 $0x10  }
0x68: {  	s18 =	sand.u32 $0x70, s17;
	s16 =	simm.s32 $0x80;
	v2 =	vmul.f32 v2, v3  }
0x69: {  	s17 =	simm.s32 $0x20;
	s19 =	sand.u32 $0x1C00, s16;
	s15 =	simm.s32 $0x7680  }
.LBB2_6:
0x6a: {  	p1 =	sne.s32 s17, $0x270;
	s18 =	sor.u32 s18, s19;
	[tilespmem:s15+$0x0] =	vst v2  }
0x6b: {  	v2 =	vld [tilespmem:s18+$0x7900];
	_ =	sdelay $0x1  }
0x6c: {  	v3 =	vld [tilespmem:s18+$0x7980];
	_ =	sdelay $0x1  }
0x6d: {  	v4 =	vld [tilespmem:s18+$0x7A00]  }
0x6e: {  	v2 =	vadd.f32 $1.000000000e+00, v2  }
0x6f: {  	v5 =	vld [tilespmem:s18+$0x7A80]  }
0x70: {  	v2 =	vadd.f32 v3, v2  }
0x71: {  	v3 =	vld [tilespmem:s18+$0x7B00]  }
0x72: {  	v2 =	vadd.f32 v4, v2  }
0x73: {  	v4 =	vld [tilespmem:s18+$0x7B80]  }
0x74: {  	v2 =	vadd.f32 v5, v2  }
0x75: {  	v5 =	vld [tilespmem:s18+$0x7C00]  }
0x76: {  	v2 =	vadd.f32 v3, v2  }
0x77: {  	v3 =	vld [tilespmem:s18+$0x7C80]  }
0x78: {  	v2 =	vadd.f32 v4, v2  }
0x79: {  	v4 =	vld [tilespmem:s18+$0x8D00]  }
0x7a: {  	v2 =	vadd.f32 v5, v2  }
0x7b: {  	v5 =	vld [tilespmem:s18+$0x8D80]  }
0x7c: {  	v2 =	vadd.f32 v3, v2  }
0x7d: {  	v3 =	vld [tilespmem:s18+$0x8E00]  }
0x7e: {  	v2 =	vadd.f32 v4, v2  }
0x7f: {  	v4 =	vld [tilespmem:s18+$0x8E80]  }
0x80: {  	v2 =	vadd.f32 v5, v2  }
0x81: {  	v5 =	vld [tilespmem:s18+$0x8F00]  }
0x82: {  	v2 =	vadd.f32 v3, v2  }
0x83: {  	v3 =	vld [tilespmem:s18+$0x8F80]  }
0x84: {  	v2 =	vadd.f32 v4, v2  }
0x85: {  	v4 =	vld [tilespmem:s18+$0x9000]  }
0x86: {  	v2 =	vadd.f32 v5, v2  }
0x87: {  	v5 =	vld [tilespmem:s18+$0x9080]  }
0x88: {  	v2 =	vadd.f32 v3, v2;
	_ =	sdelay $0x1  }
0x89: {  	v2 =	vadd.f32 v4, v2;
	_ =	sdelay $0x1  }
0x8a: {  	v2 =	vadd.f32 v5, v2;
	_ =	sdelay $0x1  }
0x8b: {  	v3 =	vshra.s32 v2, $0x1;
	v2 =	vmul.f32 $5.000000000e-01, v2  }
0x8c: {  	v3 =	vsub.s32 $0x5F3759DF, v3  }
0x8d: {  	v4 =	vmul.f32 v3, v2;
	_ =	sdelay $0x1  }
0x8e: {  	v4 =	vmul.f32 v3, v4;
	_ =	sdelay $0x1  }
0x8f: {  	v4 =	vsub.f32 $1.500000000e+00, v4;
	_ =	sdelay $0x1  }
0x90: {  	v3 =	vmul.f32 v3, v4;
	_ =	sdelay $0x1  }
0x91: {  	v4 =	vmul.f32 v3, v2;
	_ =	sdelay $0x1  }
0x92: {  	v4 =	vmul.f32 v4, v3;
	_ =	sdelay $0x1  }
0x93: {  	v4 =	vsub.f32 $1.500000000e+00, v4;
	_ =	sdelay $0x1  }
0x94: {  	v3 =	vmul.f32 v4, v3;
	_ =	sdelay $0x1  }
0x95: {  	v2 =	vmul.f32 v3, v2;
	_ =	sdelay $0x1  }
0x96: {  	v2 =	vmul.f32 v2, v3  }
.Ltmp2:
0x97: {  	(pc) =	sbr.rel @p1 .LBB2_6-.Ltmp2, $3  }
0x98: {  	v2 =	vsub.f32 $1.500000000e+00, v2;
	_ =	sdelay $0x1  }
0x99: {  	s16 =	sadd.s32 $0x80, s16;
	s15 =	sadd.s32 $0x10, s15;
	v2 =	vmul.f32 v2, v3  }
0x9a: {  	s19 =	sand.u32 $0x1C00, s16;
	s18 =	sand.u32 $0x70, s17;
	s17 =	sadd.s32 $0x10, s17  }
0x9b: {  	s16 =	sor.u32 s18, s19;
	[tilespmem:s15+$0x0] =	vst v2  }
0x9c: {  	v2 =	vld [tilespmem:s16+$0x7900];
	_ =	sdelay $0x1  }
0x9d: {  	v3 =	vld [tilespmem:s16+$0x7980];
	_ =	sdelay $0x1  }
0x9e: {  	v4 =	vld [tilespmem:s16+$0x7A00]  }
0x9f: {  	v2 =	vadd.f32 $1.000000000e+00, v2  }
0xa0: {  	v5 =	vld [tilespmem:s16+$0x7A80]  }
0xa1: {  	v2 =	vadd.f32 v3, v2  }
0xa2: {  	v3 =	vld [tilespmem:s16+$0x7B00]  }
0xa3: {  	v2 =	vadd.f32 v4, v2  }
0xa4: {  	v55 =	vld [tilespmem:s16+$0x7B80]  }
0xa5: {  	v2 =	vadd.f32 v5, v2  }
0xa6: {  	v56 =	vld [tilespmem:s16+$0x7C00]  }
0xa7: {  	v2 =	vadd.f32 v3, v2  }
0xa8: {  	v3 =	vld [tilespmem:s16+$0x7C80]  }
0xa9: {  	v2 =	vadd.f32 v55, v2  }
0xaa: {  	v57 =	vld [tilespmem:s16+$0x8D00]  }
0xab: {  	v2 =	vadd.f32 v56, v2  }
0xac: {  	v58 =	vld [tilespmem:s16+$0x8D80]  }
0xad: {  	v2 =	vadd.f32 v3, v2  }
0xae: {  	v3 =	vld [tilespmem:s16+$0x8E00]  }
0xaf: {  	v2 =	vadd.f32 v57, v2  }
0xb0: {  	v59 =	vld [tilespmem:s16+$0x8E80]  }
0xb1: {  	v2 =	vadd.f32 v58, v2  }
0xb2: {  	v60 =	vld [tilespmem:s16+$0x8F00]  }
0xb3: {  	v2 =	vadd.f32 v3, v2  }
0xb4: {  	v3 =	vld [tilespmem:s16+$0x8F80]  }
0xb5: {  	v2 =	vadd.f32 v59, v2  }
0xb6: {  	v61 =	vld [tilespmem:s16+$0x9000]  }
0xb7: {  	v2 =	vadd.f32 v60, v2  }
0xb8: {  	v62 =	vld [tilespmem:s16+$0x9080]  }
0xb9: {  	v2 =	vadd.f32 v3, v2;
	_ =	sdelay $0x1  }
0xba: {  	v2 =	vadd.f32 v61, v2;
	_ =	sdelay $0x1  }
0xbb: {  	v2 =	vadd.f32 v62, v2;
	_ =	sdelay $0x1  }
0xbc: {  	v3 =	vshra.s32 v2, $0x1;
	v2 =	vmul.f32 $5.000000000e-01, v2  }
0xbd: {  	v3 =	vsub.s32 $0x5F3759DF, v3  }
0xbe: {  	v63 =	vmul.f32 v3, v2;
	_ =	sdelay $0x1  }
0xbf: {  	v4 =	vmul.f32 v3, v63;
	_ =	sdelay $0x1  }
0xc0: {  	v4 =	vsub.f32 $1.500000000e+00, v4;
	_ =	sdelay $0x1  }
0xc1: {  	v3 =	vmul.f32 v3, v4;
	_ =	sdelay $0x1  }
0xc2: {  	v4 =	vmul.f32 v3, v2;
	_ =	sdelay $0x1  }
0xc3: {  	v4 =	vmul.f32 v4, v3;
	_ =	sdelay $0x1  }
0xc4: {  	v4 =	vsub.f32 $1.500000000e+00, v4;
	_ =	sdelay $0x1  }
0xc5: {  	v3 =	vmul.f32 v4, v3;
	_ =	sdelay $0x1  }
0xc6: {  	v2 =	vmul.f32 v3, v2;
	_ =	sdelay $0x1  }
0xc7: {  	v2 =	vmul.f32 v2, v3;
	_ =	sdelay $0x1  }
0xc8: {  	v2 =	vsub.f32 $1.500000000e+00, v2;
	_ =	sdelay $0x1  }
0xc9: {  	v2 =	vmul.f32 v2, v3  }
0xca: {  	s31 =	sadd.s32 $0x10, s15;
	s2 =	sadd.s32 $0x1, s2  }
0xcb: {  	s15 =	simm.s32 @!p0 $0x0;
	p1 =	sne.s32 s2, s7;
	s16 =	simm.s32 @!p0 $0x7680;
	[tilespmem:s31+$0x0] =	vst v2  }
0xcc: {  	[hbm4b:s6+s15] =	stream.linear.scatter @!p0 [tilespmem:s16], [sflag:$0x1], $0x280, $0x38;
	[tilespmem:$0xC900] =	vst v63  }
.Ltmp3:
0xcd: {  	_ = 	snop;
	(pc) =	sbr.rel @p1 .LBB2_1-.Ltmp3, $4  }
0xce: {  	s15 =	simm.s32 @!p0 $0x1  }
0xcf: {  	_ =	swait.ge @!p0 [sflag:s15], $0x280  }
0xd0: {  	[sflag:s15] =	ssyncset.done @!p0 $0x0  }
0xd1: {  	[sflag:s15] =	ssyncadd.s32 @!p0 $0xFFFFFD80  }
0xd2: {  	_ =	sfence.sel $0x180000  }
0xd3: {  	[bflag:$0x0] =	sbarrier.arrive $0xFFFF  }
0xd4: {  	p0 =	sne.s32 s1, $0x0;
	_ =	strace $0x90000047  }
0xd5: {  	s0 =	sadd.s32 @!p0 $0x100000, s0;
	[bflag:$0x2] =	sbarrier.arrive $0xFFFF  }
0xd6: {  	[sflag:s0] =	ssyncadd.tile.s32 @!p0 $0x1;
	_ =	shalt  }
.Lfunc_end2:
_tile_overlayer_lowered:
.L_overlay_start_2:
0xd7: {  	(tag) =	ssettag $0x2  }
0xd8: {  	s0 =	rddreg [dreg:$0x0];
	s2 =	stileid.u32  }
0xd9: {  	s1 =	rddreg [dreg:$0x1];
	p0 =	sne.s32 s2, $0x0  }
0xda: {  	s3 =	rddreg [dreg:$0x2];
	[bflag:$0x3] =	sbarrier.arrive $0xFFFF;
	s2 =	simm.s32 @!p0 $0x1C01  }
0xdb: {  	[timem:s3], [sflag:s2] =	dma.local @!p0 [hbm:s0], s1  }
0xdc: {  	s0 =	simm.s32 @!p0 $0x1  }
0xdd: {  	_ =	swait.ge @!p0 [sflag:s0], s1  }
0xde: {  	s1 =	ssub.s32 @!p0 $0x0, s1;
	[sflag:s0] =	ssyncset.done @!p0 $0x0  }
0xdf: {  	[sflag:s0] =	ssyncadd.s32 @!p0 s1  }
0xe0: {  	[bflag:$0x3] =	sbarrier.arrive $0xFFFF  }
0xe1: {  	_ =	shalt  }

// kernel: kernel.9.cloned.1.call-start
scs
__scs_entry_jumppad:
0x0: {  	(pc) =	sbr.rel $0x88, $3  }
0x1: {  	(tag) =	ssettag $0x0;
	lr =	simm.s32 $0x1  }
0x2: {  	[smem:$0x3F9D] =	sst lr;
	_ =	strace $0xD0000000  }
0x3: {  	_ = 	snop  }
0x4: {  	_ = 	snop  }
0x5: {  	_ = 	snop  }
0x6: {  	_ = 	snop  }
0x7: {  	_ = 	snop  }
__scs_overlays_trampoline_lowered:
0x8: {  	[smem:$0x3FAC] =	sst s0  }
0x9: {  	[smem:$0x3FAD] =	sst s1  }
0xa: {  	[smem:$0x3FAE] =	sst s2  }
0xb: {  	[smem:$0x3FAF] =	sst s3  }
0xc: {  	[smem:$0x3FB0] =	sst s4  }
0xd: {  	[smem:$0x3FB1] =	sst s5  }
0xe: {  	[smem:$0x3FB2] =	sst s6  }
0xf: {  	[smem:$0x3FB3] =	sst s7  }
0x10: {  	[smem:$0x3FB4] =	sst s8  }
0x11: {  	[smem:$0x3FB5] =	sst s9;
	s0 =	simm.s32 @!p0 $0x0  }
0x12: {  	s1 =	sld [smem:$0x3F9B];
	s0 =	simm.s32 @p0 $0x1  }
0x13: {  	[smem:$0x3FB6] =	sst s0;
	s0 =	simm.s32 @!p1 $0x0  }
0x14: {  	s2 =	sld [smem:$0x3F9A];
	s0 =	simm.s32 @p1 $0x1  }
0x15: {  	[smem:$0x3FB7] =	sst s0;
	s0 =	simm.s32 @!p2 $0x0  }
0x16: {  	s3 =	sld [smem:$0x3FDB];
	s0 =	simm.s32 @p2 $0x1  }
0x17: {  	s4 =	simm.s32 $0x1BF5;
	[smem:$0x3FB9] =	sst s0  }
0x18: {  	s0 =	sld [smem:$0x3F9C];
	_ =	swait.ge [sflag:s4], $0x0  }
0x19: {  	s7 =	sld [smem:$0x3F9D]  }
0x1a: {  	s8 =	sadd.s32 $0xFFFFE003, lr  }
0x1b: {  	s9 =	sadd.s32 $0xFFFFFEF7, lr;
	s5 =	simm.s32 $0xFFFFFFFF;
	p2 =	slt.u32 s8, $0xFFFFF086  }
0x1c: {  	p1 =	slt.u32 s9, $0xF7A;
	s5 =	simm.s32 @!p2 $0x0  }
0x1d: {  	s5 =	simm.s32 @p1 $0x1;
	p0 =	seq.s32 s7, s2  }
0x1e: {  	s7 =	smul.u32 @!p0 $0xF7A, s2;
	p2 =	seq.s32 @!p0 s5, $0x0  }
0x1f: {  	s9 =	smul.u32 $0xF7A, s1;
	s8 =	simm.s32 @!p0 $0x1BF5;
	p2 =	por !p2, p0  }
0x20: {  	[sflag:s8] =	ssyncset.s32 @!p0 $0xFFFFF086;
	s6 =	sadd.s32 @!p0 s3, s7;
	s7 =	simm.s32 @!p0 $0x108  }
0x21: {  	s3 =	sadd.s32 s3, s9;
	s6 =	sadd.s32 @!p0 $0x88, s6;
	s7 =	simm.s32 @p2 $0x1082  }
0x22: {  	[simem:s7], [sflag:s8] =	dma.local @!p0 [hbm:s6], $0xF7A  }
0x23: {  	s9 =	sor.u32 $0xD0000000, s2;
	s6 =	simm.s32 $0x108;
	_ =	swait.ge @!p0 [sflag:s8], $0x0  }
0x24: {  	s3 =	sadd.s32 $0x88, s3;
	s6 =	simm.s32 @!p1 $0x1082;
	[sflag:s4] =	ssyncset.s32 $0xFFFFF086  }
0x25: {  	[simem:s6], [sflag:s4] =	dma.local [hbm:s3], $0xF7A  }
0x26: {  	[smem:$0x3F9D] =	sst s1;
	(tag) =	ssettag s2;
	_ =	strace s9  }
0x27: {  	s1 =	sld [smem:$0x3FAD]  }
0x28: {  	s2 =	sld [smem:$0x3FAE]  }
0x29: {  	s4 =	sld [smem:$0x3FB0]  }
0x2a: {  	p0 =	seq.s32 s5, $0x0;
	s5 =	sld [smem:$0x3FB1]  }
0x2b: {  	s6 =	sld [smem:$0x3FB2]  }
0x2c: {  	s7 =	sld [smem:$0x3FB3]  }
0x2d: {  	s3 =	simm.s32 $0x108;
	s8 =	sld [smem:$0x3FB4]  }
0x2e: {  	s3 =	simm.s32 @!p0 $0x1082;
	s9 =	sld [smem:$0x3FB5]  }
0x2f: {  	lr =	sadd.s32 s0, s3;
	s0 =	sld [smem:$0x3FAC]  }
0x30: {  	s3 =	sld [smem:$0x3FAF]  }
0x31: {  	[smem:$0x3FB8] =	sst s10  }
0x32: {  	s10 =	sld [smem:$0x3FB6];
	_ =	sdelay $0x3  }
0x33: {  	p0 =	seq.s32 s10, $0x1;
	s10 =	sld [smem:$0x3FB8];
	_ =	sdelay $0x3  }
0x34: {  	[smem:$0x3FB8] =	sst s10  }
0x35: {  	s10 =	sld [smem:$0x3FB7];
	_ =	sdelay $0x3  }
0x36: {  	p1 =	seq.s32 s10, $0x1;
	s10 =	sld [smem:$0x3FB8];
	_ =	sdelay $0x3  }
0x37: {  	[smem:$0x3FB8] =	sst s10  }
0x38: {  	s10 =	sld [smem:$0x3FB9]  }
0x39: {  	_ = 	snop;
	(pc) =	sbr.ind lr, $3  }
0x3a: {  	_ = 	snop  }
0x3b: {  	_ = 	snop  }
0x3c: {  	p2 =	seq.s32 s10, $0x1;
	s10 =	sld [smem:$0x3FB8]  }
0x3d: {  	_ =	shalt  }
0x3e: {  	_ =	shalt  }
0x3f: {  	_ =	shalt  }
0x40: {  	_ =	shalt  }
0x41: {  	_ =	shalt  }
0x42: {  	_ =	shalt  }
0x43: {  	_ =	shalt  }
0x44: {  	_ =	shalt  }
0x45: {  	_ =	shalt  }
0x46: {  	_ =	shalt  }
0x47: {  	_ =	shalt  }
0x48: {  	_ =	shalt  }
0x49: {  	_ =	shalt  }
0x4a: {  	_ =	shalt  }
0x4b: {  	_ =	shalt  }
0x4c: {  	_ =	shalt  }
0x4d: {  	_ =	shalt  }
0x4e: {  	_ =	shalt  }
0x4f: {  	_ =	shalt  }
0x50: {  	_ =	shalt  }
0x51: {  	_ =	shalt  }
0x52: {  	_ =	shalt  }
0x53: {  	_ =	shalt  }
0x54: {  	_ =	shalt  }
0x55: {  	_ =	shalt  }
0x56: {  	_ =	shalt  }
0x57: {  	_ =	shalt  }
0x58: {  	_ =	shalt  }
0x59: {  	_ =	shalt  }
0x5a: {  	_ =	shalt  }
0x5b: {  	_ =	shalt  }
0x5c: {  	_ =	shalt  }
0x5d: {  	_ =	shalt  }
0x5e: {  	_ =	shalt  }
0x5f: {  	_ =	shalt  }
0x60: {  	_ =	shalt  }
0x61: {  	_ =	shalt  }
0x62: {  	_ =	shalt  }
0x63: {  	_ =	shalt  }
0x64: {  	_ =	shalt  }
0x65: {  	_ =	shalt  }
0x66: {  	_ =	shalt  }
0x67: {  	_ =	shalt  }
0x68: {  	_ =	shalt  }
0x69: {  	_ =	shalt  }
0x6a: {  	_ =	shalt  }
0x6b: {  	_ =	shalt  }
0x6c: {  	_ =	shalt  }
0x6d: {  	_ =	shalt  }
0x6e: {  	_ =	shalt  }
0x6f: {  	_ =	shalt  }
0x70: {  	_ =	shalt  }
0x71: {  	_ =	shalt  }
0x72: {  	_ =	shalt  }
0x73: {  	_ =	shalt  }
0x74: {  	_ =	shalt  }
0x75: {  	_ =	shalt  }
0x76: {  	_ =	shalt  }
0x77: {  	_ =	shalt  }
0x78: {  	_ =	shalt  }
0x79: {  	_ =	shalt  }
0x7a: {  	_ =	shalt  }
0x7b: {  	_ =	shalt  }
0x7c: {  	_ =	shalt  }
0x7d: {  	_ =	shalt  }
0x7e: {  	_ =	shalt  }
0x7f: {  	_ =	shalt  }
0x80: {  	_ =	shalt  }
0x81: {  	_ =	shalt  }
0x82: {  	_ =	shalt  }
0x83: {  	_ =	shalt  }
0x84: {  	_ =	shalt  }
0x85: {  	_ =	shalt  }
0x86: {  	_ =	shalt  }
0x87: {  	_ =	shalt  }
.Lfunc_end0:
.L_simem_size_0:
called_computation.1_lowered:
.L_overlay_start_0:
0x88: {  	s2 =	sld [smem:$0x3FD9]  }
0x89: {  	s3 =	sld [smem:$0x3FFE];
	_ =	sdelay $0x1  }
0x8a: {  	s1 =	srdreg.scid  }
0x8b: {  	s0 =	sand.u32 $0x1, s1  }
0x8c: {  	s17 =	sshll.u32 s0, $0xA;
	s2 =	sadd.s32 s3, s2  }
0x8d: {  	s2 =	sadd.s32 s2, s17  }
0x8e: {  	[smem:$0x3FC4] =	sst s2  }
0x8f: {  	_ = 	snop  }
0x90: {  	s2 =	sld [smem:$0x3FD0];
	(tm) =	ssettm $0x1  }
0x91: {  	s18 =	sld [smem:$0x3FFB];
	_ =	sdelay $0x3  }
0x92: {  	_ =	strace s18  }
0x93: {  	s3 =	sld [smem:$0x3FFC];
	_ =	sdelay $0x3  }
0x94: {  	_ =	strace s3  }
0x95: {  	s3 =	sld [smem:$0x3FFD];
	_ =	sdelay $0x3  }
0x96: {  	_ =	strace s3  }
0x97: {  	_ =	strace $0x8FFFFFFF  }
0x98: {  	s19 =	sld [smem:$0x3FDB];
	_ =	sdelay $0x1  }
0x99: {  	s4 =	simm.s32 $_scs_section_size  }
0x9a: {  	s5 =	simm.s32 $_size__tile_overlayer_lowered;
	s6 =	simm.s32 $_tile_overlayer_lowered  }
0x9b: {  	s22 =	simm.s32 $0x1BFF;
	s21 =	sshll.u32 s6, $0x1;
	s3 =	sadd.s32 s4, s19  }
0x9c: {  	s7 =	simm.s32 $0x0;
	s20 =	sshll.u32 s5, $0x1;
	s5 =	sadd.s32 s21, s3  }
0x9d: {  	[timem:s7], [sflag:s22] =	dma.local [hbm:s5], s20  }
0x9e: {  	_ =	swait.ge [sflag:s22], s20  }
0x9f: {  	s4 =	ssub.s32 $0x0, s20;
	[sflag:s22] =	ssyncset.done $0x0  }
0xa0: {  	[sflag:s22] =	ssyncadd.s32 s4;
	_ =	sdelay $0x1  }
0xa1: {  	s23 =	simm.s32 $0x1B8B  }
0xa2: {  	_ =	swait.ge [sflag:s23], $0x1  }
0xa3: {  	[sflag:s23] =	ssyncset.done $0x0  }
0xa4: {  	s25 =	simm.s32 $0x1B8E;
	s24 =	sld [smem:$0x3FFE];
	[sflag:s23] =	ssyncadd.s32 $0xFFFFFFFF  }
0xa5: {  	s26 =	simm.s32 $execute0_lowered;
	[smem:$0x3FD2] =	sst s25  }
0xa6: {  	s5 =	sshll.u32 s26, $0x1;
	_ =	strace $0x80000049;
	[dreg:$0x1] =	wrdreg $0xFFFFFFFF  }
0xa7: {  	s28 =	simm.s32 $_size_execute0_lowered;
	s3 =	sadd.s32 s3, s5;
	[dreg:$0x0] =	wrdreg $0x0  }
0xa8: {  	s5 =	sshll.u32 s28, $0x1;
	[dreg:$0x2] =	wrdreg s3  }
0xa9: {  	[dreg:$0x3] =	wrdreg s5  }
0xaa: {  	[dreg:$0x4] =	wrdreg $0xC0  }
0xab: {  	_ =	task [dreg:s7], $0x5FFFF  }
0xac: {  	[dreg:$0x1] =	wrdreg $0xFFFFFFFF  }
0xad: {  	[dreg:$0x0] =	wrdreg $0x60  }
0xae: {  	[dreg:$0x2] =	wrdreg s2  }
0xaf: {  	[dreg:$0x3] =	wrdreg s24  }
0xb0: {  	[dreg:$0x4] =	wrdreg $0xB8000  }
0xb1: {  	[dreg:$0x5] =	wrdreg $0x9  }
0xb2: {  	_ =	task.clear_ibuf [dreg:s7], $0x6FFFF;
	_ =	strace $0x90000049  }
0xb3: {  	s29 =	simm.s32 $0x9;
	_ =	strace $0x8000004B  }
0xb4: {  	_ =	swait.ge [sflag:s29], $0x1  }
0xb5: {  	[sflag:s29] =	ssyncadd.s32 $0xFFFFFFFF  }
0xb6: {  	_ =	strace $0x9000004B  }
0xb7: {  	_ =	sfence  }
0xb8: {  	s30 =	sld [smem:$0x0];
	_ =	sdelay $0x2  }
0xb9: {  	s31 =	sshll.u32 s1, $0xD;
	s1 =	sshrl.u32 s1, $0x2  }
0xba: {  	s3 =	sand.u32 $0x4000, s31;
	s1 =	sadd.s32 s1, s30  }
0xbb: {  	s0 =	sor.u32 s3, s0;
	s1 =	sshll.u32 s1, $0x11  }
0xbc: {  	s0 =	sor.u32 s1, s0  }
0xbd: {  	s0 =	sadd.s32 $0x8F2B, s0  }
0xbe: {  	[sflag:s0] =	ssyncadd.remote.s32 $0x1  }
0xbf: {  	_ =	sfence.sel $0xFFFF  }
0xc0: {  	[dreg:$0x0] =	wrdreg $0xFFFFFFFF;
	(pc) =	sbr.abs _section_cstart, $3  }
0xc1: {  	[dreg:$0x1] =	wrdreg $0xFFFFFFFF  }
0xc2: {  	_ =	task.clear_ibuf [dreg:s7], $0x2FFFF;
	_ =	strace $0x9FFFFFFF  }
0xc3: {  	(tm) =	ssettm $0x7FFFFFFF  }
tec
execute0_lowered:
.L_overlay_start_1:
0x0: {  	(tag) =	ssettag $0x1  }
0x1: {  	s1 =	rddreg [dreg:$0x0]  }
0x2: {  	s0 =	rddreg [dreg:$0x1];
	s10 =	stileid.u32  }
0x3: {  	s3 =	srdreg.scid;
	s7 =	smul.u32 $0x13C00, s10  }
0x4: {  	s2 =	rddreg [dreg:$0x2];
	s3 =	sand.u32 $0x1, s3;
	s8 =	smul.u32 $0x4F000, s10  }
0x5: {  	s4 =	simm.s32 $0x0;
	s30 =	simm.s32 $0x1;
	s6 =	smul.u32 $0x13C000, s3  }
0x6: {  	s31 =	simm.s32 $0x78;
	[smem:$0x7FF] =	sst s4;
	s5 =	sadd.s32 $0xCA00, s0  }
0x7: {  	_ =	strace $0x8000004A;
	s17 =	sshrl.u32 s8, $0x2;
	s7 =	sadd.s32 s7, s6  }
0x8: {  	s16 =	sshll.u32 s3, $0x4;
	s9 =	sshrl.u32 s7, $0x3;
	s7 =	sadd.s32 s17, s2  }
0x9: {  	s3 =	ssub.s32 $0x2, s3;
	s10 =	sor.u32 s10, s16;
	s18 =	sadd.s32 $0x3C00, s7  }
0xa: {  	s11 =	sshrl.u32 s3, $0x1;
	s19 =	sadd.s32 $0x7800, s7;
	[dreg:$0x4] =	wrdreg s18  }
0xb: {  	s6 =	sadd.s32 $0x1A00, s0;
	s20 =	sadd.s32 $0xB400, s7;
	[dreg:$0x5] =	wrdreg s19  }
0xc: {  	s8 =	smul.u32 $0x2C00, s10;
	s22 =	sadd.s32 $0xF000, s7;
	[dreg:$0x6] =	wrdreg s20  }
0xd: {  	s3 =	ssub.s32 s3, s11;
	s23 =	sadd.s32 $0x12C00, s7;
	[dreg:$0x7] =	wrdreg s22  }
0xe: {  	s0 =	sadd.s32 s9, s0;
	s21 =	sshrl.u32 s8, $0x3;
	[dreg:$0x8] =	wrdreg s23  }
0xf: {  	s24 =	sadd.s32 s6, s21;
	s25 =	sadd.s32 s5, s21;
	s26 =	sor.u32 $0x10, s21  }
0x10: {  	s9 =	sor.u32 $0x20, s21;
	s20 =	sadd.s32 $0x17A00, s0;
	[dreg:$0x9] =	wrdreg s24  }
0x11: {  	s21 =	smax.u32 s3, $0x1;
	[dreg:$0xa] =	wrdreg s25;
	s28 =	sadd.s32 s6, s26  }
0x12: {  	s22 =	simm.s32 $0x400;
	s10 =	sadd.s32 s5, s26;
	[dreg:$0xb] =	wrdreg s28  }
0x13: {  	s23 =	simm.s32 $0xC;
	s29 =	sadd.s32 s6, s9;
	[dreg:$0xc] =	wrdreg s10  }
0x14: {  	s0 =	simm.s32 $0x2;
	s9 =	sadd.s32 s5, s9;
	[dreg:$0xd] =	wrdreg s29  }
0x15: {  	v0 =	vimm.f32 $0.0e+00;
	s3 =	simm.s32 $0x0;
	s25 =	simm.s32 $0x80;
	[dreg:$0xe] =	wrdreg s9  }
.LBB2_1:
0x16: {  	s9 =	simm.s32 $0x0;
	s10 =	simm.s32 $0x200  }
.LBB2_2:
0x17: {  	p0 =	sne.s32 s10, $0xEE00;
	[tilespmem:s9+$0x470] =	vst v0  }
0x18: {  	[tilespmem:s9+$0x400] =	vst v0  }
0x19: {  	[tilespmem:s9+$0x410] =	vst v0  }
.Ltmp0:
0x1a: {  	[tilespmem:s9+$0x420] =	vst v0;
	(pc) =	sbr.rel @p0 .LBB2_2-.Ltmp0, $4  }
0x1b: {  	[tilespmem:s9+$0x430] =	vst v0  }
0x1c: {  	[tilespmem:s9+$0x440] =	vst v0  }
0x1d: {  	[tilespmem:s9+$0x450] =	vst v0  }
0x1e: {  	[tilespmem:s9+$0x460] =	vst v0;
	s9 =	sshra.s32 s10, $0x2;
	s10 =	sadd.s32 $0x200, s10  }
0x1f: {  	[tilespmem:s9+$0x470] =	vst v0  }
0x20: {  	[tilespmem:s9+$0x400] =	vst v0  }
0x21: {  	[tilespmem:s9+$0x410] =	vst v0  }
0x22: {  	[tilespmem:s9+$0x420] =	vst v0  }
0x23: {  	[tilespmem:s9+$0x430] =	vst v0  }
0x24: {  	[tilespmem:s9+$0x440] =	vst v0  }
0x25: {  	[tilespmem:s9+$0x450] =	vst v0  }
0x26: {  	[tilespmem:s9+$0x460] =	vst v0  }
0x27: {  	[spmem:s7] =	stream.linear.scatter [tilespmem:s22], [sflag:$0xC], $0x3C00, $0x38;
	[tilespmem:$0x1F400] =	vst v63  }
0x28: {  	_ =	swait.ge [sflag:s23], $0x3C00  }
0x29: {  	[sflag:s23] =	ssyncset.done $0x0  }
0x2a: {  	s14 =	rddreg [dreg:$0x4];
	[sflag:s23] =	ssyncadd.s32 $0xFFFFC400  }
0x2b: {  	[spmem:s14] =	stream.linear.scatter [tilespmem:s22], [sflag:$0xC], $0x3C00, $0x38;
	[tilespmem:$0x1F400] =	vst v63  }
0x2c: {  	_ =	swait.ge [sflag:s23], $0x3C00  }
0x2d: {  	[sflag:s23] =	ssyncset.done $0x0  }
0x2e: {  	s15 =	rddreg [dreg:$0x5];
	[sflag:s23] =	ssyncadd.s32 $0xFFFFC400  }
0x2f: {  	[spmem:s15] =	stream.linear.scatter [tilespmem:s22], [sflag:$0xC], $0x3C00, $0x38;
	[tilespmem:$0x1F400] =	vst v63  }
0x30: {  	_ =	swait.ge [sflag:s23], $0x3C00  }
0x31: {  	[sflag:s23] =	ssyncset.done $0x0  }
0x32: {  	s16 =	rddreg [dreg:$0x6];
	[sflag:s23] =	ssyncadd.s32 $0xFFFFC400  }
0x33: {  	[spmem:s16] =	stream.linear.scatter [tilespmem:s22], [sflag:$0xC], $0x3C00, $0x38;
	[tilespmem:$0x1F400] =	vst v63  }
0x34: {  	_ =	swait.ge [sflag:s23], $0x3C00  }
0x35: {  	[sflag:s23] =	ssyncset.done $0x0  }
0x36: {  	s17 =	rddreg [dreg:$0x7];
	[sflag:s23] =	ssyncadd.s32 $0xFFFFC400  }
0x37: {  	[spmem:s17] =	stream.linear.scatter [tilespmem:s22], [sflag:$0xC], $0x3C00, $0x38;
	[tilespmem:$0x1F400] =	vst v63  }
0x38: {  	_ =	swait.ge [sflag:s23], $0x3C00  }
0x39: {  	[sflag:s23] =	ssyncset.done $0x0  }
0x3a: {  	s18 =	rddreg [dreg:$0x8];
	[sflag:s23] =	ssyncadd.s32 $0xFFFFC400  }
0x3b: {  	[spmem:s18] =	stream.linear.scatter [tilespmem:s22], [sflag:$0xC], $0x1000, $0x38;
	[tilespmem:$0x1F400] =	vst v63  }
0x3c: {  	_ =	swait.ge [sflag:s23], $0x1000  }
0x3d: {  	[sflag:s23] =	ssyncset.done $0x0  }
0x3e: {  	[sflag:s23] =	ssyncadd.s32 $0xFFFFF000  }
0x3f: {  	[bflag:$0x0] =	sbarrier.arrive $0xFFFF  }
0x40: {  	s19 =	rddreg [dreg:$0x9]  }
0x41: {  	s10 =	simm.s32 $0x200;
	s24 =	rddreg [dreg:$0xa]  }
0x42: {  	s11 =	simm.s32 $0x280;
	p0 =	por $0x0, $0x0;
	s26 =	rddreg [dreg:$0xb]  }
0x43: {  	[tilespmem:s4], [sflag:$0x1] =	stream.linear.gather [hbm4b:s19+s4], $0x80, $0x38;
	[tilespmem:$0x1F400] =	vst v63  }
0x44: {  	s13 =	simm.s32 $0x100;
	s9 =	simm.s32 @!p0 $0x2;
	s12 =	rddreg [dreg:$0xd]  }
0x45: {  	[tilespmem:s10], [sflag:$0x5] =	stream.linear.gather [hbm4b:s24+s4], $0x80, $0x38;
	[tilespmem:$0x1F400] =	vst v63  }
0x46: {  	p1 =	por @!p0 $0x0, $0x0;
	s28 =	simm.s32 @!p0 $0x78;
	s14 =	rddreg [dreg:$0xe]  }
0x47: {  	[tilespmem:s25], [sflag:$0x2] =	stream.linear.gather [hbm4b:s26+s4], $0x80, $0x38;
	[tilespmem:$0x1F400] =	vst v63  }
0x48: {  	p1 =	por p1, p0;
	s15 =	simm.s32 $0x300;
	s10 =	rddreg [dreg:$0xc]  }
0x49: {  	[tilespmem:s11], [sflag:$0x6] =	stream.linear.gather [hbm4b:s10+s4], $0x80, $0x38;
	[tilespmem:$0x1F400] =	vst v63  }
0x4a: {  	s26 =	simm.s32 $0x4;
	s10 =	smul.u32 @!p0 $0xAB, s9;
	s9 =	sand.u32 @!p0 $0x3, s9  }
0x4b: {  	[tilespmem:s13], [sflag:$0x3] =	stream.linear.gather [hbm4b:s12+s4], $0x80, $0x38;
	[tilespmem:$0x1F400] =	vst v63  }
0x4c: {  	s11 =	simm.s32 $0x4000;
	s24 =	sadd.s32 @!p0 $0x1, s9;
	s10 =	sshrl.u32 @!p0 s10, $0x9  }
0x4d: {  	s9 =	sshll.u32 @!p0 s9, $0x7;
	s12 =	simm.s32 $0x180;
	s10 =	sand.u32 @!p0 $0x7F, s10  }
0x4e: {  	[tilespmem:s15], [sflag:$0x7] =	stream.linear.gather [hbm4b:s14+s4], $0x80, $0x38;
	[tilespmem:$0x1F400] =	vst v63  }
0x4f: {  	s13 =	simm.s32 $0x0;
	s10 =	smul.u32 @!p0 $0x3, s10;
	_ =	swait.ge [sflag:s30], $0x80  }
0x50: {  	s14 =	smul.u32 $0xAB, s13;
	s13 =	sand.u32 $0x3, s13;
	[sflag:s30] =	ssyncset.done $0x0  }
0x51: {  	s16 =	sshll.u32 s13, $0x7;
	s10 =	ssub.s32 @!p0 $0x2, s10;
	[sflag:s30] =	ssyncadd.s32 $0xFFFFFF80  }
0x52: {  	[tilespmem:s22], [sflag:$0x9] =	stream.indirect.gather [hbm4b:s1+s31], $0x80, s4, s31, $0xb8;
	[tilespmem:$0x1F400] =	vst v63  }
0x53: {  	s14 =	sshrl.u32 s14, $0x9;
	s10 =	sand.u32 @!p0 $0xFF, s10;
	_ =	swait.ge [sflag:s0], $0x80  }
0x54: {  	s14 =	sand.u32 $0x7F, s14;
	s29 =	smul.u32 @!p0 $0xF000, s10;
	[sflag:s0] =	ssyncset.done $0x0  }
0x55: {  	s19 =	sadd.s32 $0x5, s13;
	s14 =	smul.u32 $0x3, s14;
	[sflag:s0] =	ssyncadd.s32 $0xFFFFFF80  }
0x56: {  	[tilespmem:s11], [sflag:$0xA] =	stream.indirect.gather [hbm4b:s1+s31], $0x80, s25, s31, $0xb8;
	[tilespmem:$0x1F400] =	vst v63  }
0x57: {  	s10 =	sadd.s32 @!p0 $0x9, s10;
	s29 =	sshrl.u32 @!p0 s29, $0x2;
	_ =	swait.ge @!p0 [sflag:s24], $0x80  }
0x58: {  	s14 =	ssub.s32 $0x0, s14;
	s29 =	sadd.s32 @!p0 $0x400, s29;
	[sflag:s24] =	ssyncset.done @!p0 $0x0  }
0x59: {  	s14 =	sand.u32 $0xFF, s14;
	[sflag:s24] =	ssyncadd.s32 @!p0 $0xFFFFFF80;
	s24 =	sand.u32 @!p1 $0x7C00, s12  }
0x5a: {  	[tilespmem:s29], [sflag:s10] =	stream.indirect.gather @!p0 [hbm4b:s1+s28], $0x80, s9, s28, $0xb8;
	[tilespmem:$0x1F400] =	vst v63  }
0x5b: {  	s11 =	simm.s32 $0x3;
	s10 =	sand.u32 @!p1 $0x380, s12;
	s12 =	sadd.s32 @!p1 s8, s24  }
0x5c: {  	s17 =	sadd.s32 $0x9, s14;
	s11 =	sand.u32 @!p1 $0x3, s11;
	s10 =	sor.u32 @!p1 s10, s12  }
0x5d: {  	s18 =	smul.u32 $0xF000, s14;
	s24 =	sshll.u32 @!p1 s11, $0x7;
	s10 =	sshrl.u32 @!p1 s10, $0x3  }
0x5e: {  	s29 =	sadd.s32 @!p1 $0x1, s11;
	s12 =	simm.s32 @!p1 $0x0;
	s28 =	sadd.s32 @!p1 s6, s10  }
0x5f: {  	[tilespmem:s24], [sflag:s29] =	stream.linear.gather @!p1 [hbm4b:s28+s12], $0x80, $0x38;
	[tilespmem:$0x1F400] =	vst v63  }
0x60: {  	s11 =	sadd.s32 @!p1 $0x5, s11;
	s10 =	sadd.s32 @!p1 s5, s10;
	s24 =	sor.u32 @!p1 $0x200, s24  }
0x61: {  	[tilespmem:s24], [sflag:s11] =	stream.linear.gather @!p1 [hbm4b:s10+s12], $0x80, $0x38;
	[tilespmem:$0x1F400] =	vst v63  }
0x62: {  	s9 =	sor.u32 $0x200, s16;
	p0 =	por $0x0, $0x0;
	_ =	swait.ge [sflag:s17], $0x3C00  }
0x63: {  	s29 =	simm.s32 $0x5;
	s28 =	simm.s32 $0x200;
	[sflag:s17] =	ssyncset.done $0x0  }
0x64: {  	s11 =	sshrl.u32 s18, $0x2;
	s24 =	simm.s32 $0x1;
	[sflag:s17] =	ssyncadd.s32 $0xFFFFC400  }
0x65: {  	s12 =	simm.s32 @!p0 $0x3;
	p1 =	por @!p0 $0x0, $0x0;
	_ =	swait.ge [sflag:s19], $0x80  }
0x66: {  	s10 =	sadd.s32 $0x400, s11;
	s11 =	smul.u32 $0xAB, s24;
	[sflag:s19] =	ssyncset.done $0x0  }
0x67: {  	s13 =	sand.u32 @!p0 $0x3, s12;
	s14 =	smul.u32 @!p0 $0xAB, s12;
	[sflag:s19] =	ssyncadd.s32 $0xFFFFFF80  }
.LBB2_4:
0x68: {  	[spmem:s2] =	stream.indirect.scatter.add.f32 [tilespmem:s10], [sflag:$0xC], $0x80, s9, s31, $0xb8;
	[tilespmem:$0x1F400] =	vst v63  }
0x69: {  	s15 =	smov.u32 s29  }
0x6a: {  	s9 =	sand.u32 $0x3, s24;
	s10 =	sshrl.u32 @!p0 s14, $0x9;
	_ =	swait.ge [sflag:s23], $0x3C00  }
0x6b: {  	s14 =	sand.u32 @!p0 $0x7F, s10;
	s10 =	sshll.u32 s9, $0x7;
	[sflag:s23] =	ssyncset.done $0x0  }
0x6c: {  	s29 =	sadd.s32 $0x1, s29;
	s14 =	smul.u32 @!p0 $0x3, s14;
	[sflag:s23] =	ssyncadd.s32 $0xFFFFC400  }
0x6d: {  	s16 =	sadd.s32 @!p0 $0x1, s13;
	s13 =	sshll.u32 @!p0 s13, $0x7;
	s11 =	sshrl.u32 s11, $0x9  }
0x6e: {  	s11 =	sand.u32 $0x7F, s11;
	s12 =	ssub.s32 @!p0 s12, s14;
	s14 =	simm.s32 @!p0 $0x78  }
0x6f: {  	p1 =	por p1, p0;
	s11 =	smul.u32 $0x3, s11;
	s12 =	sand.u32 @!p0 $0xFF, s12  }
0x70: {  	s18 =	sand.u32 @!p1 $0x380, s28;
	s17 =	smul.u32 @!p0 $0xF000, s12;
	s12 =	sadd.s32 @!p0 $0x9, s12  }
0x71: {  	s19 =	sand.u32 @!p1 $0x7C00, s28;
	s11 =	ssub.s32 s24, s11;
	_ =	swait.ge @!p0 [sflag:s16], $0x80  }
0x72: {  	s19 =	sadd.s32 @!p1 s8, s19;
	[sflag:s16] =	ssyncset.done @!p0 $0x0;
	s17 =	sshrl.u32 @!p0 s17, $0x2  }
0x73: {  	[sflag:s16] =	ssyncadd.s32 @!p0 $0xFFFFFF80;
	s16 =	sadd.s32 @!p0 $0x400, s17;
	s17 =	sor.u32 @!p1 s18, s19  }
0x74: {  	[tilespmem:s16], [sflag:s12] =	stream.indirect.gather @!p0 [hbm4b:s1+s14], $0x80, s13, s14, $0xb8;
	[tilespmem:$0x1F400] =	vst v63  }
0x75: {  	s12 =	sand.u32 @!p1 $0x3, s26;
	s13 =	sshrl.u32 @!p1 s17, $0x3;
	s14 =	simm.s32 @!p1 $0x0  }
0x76: {  	s16 =	sshll.u32 @!p1 s12, $0x7;
	s17 =	sadd.s32 @!p1 s6, s13;
	s13 =	sadd.s32 @!p1 s5, s13  }
0x77: {  	s18 =	sadd.s32 @!p1 $0x1, s12;
	s12 =	sadd.s32 @!p1 $0x5, s12;
	s19 =	sor.u32 @!p1 $0x200, s16  }
0x78: {  	[tilespmem:s16], [sflag:s18] =	stream.linear.gather @!p1 [hbm4b:s17+s14], $0x80, $0x38;
	[tilespmem:$0x1F400] =	vst v63  }
0x79: {  	p2 =	sne.s32 s29, $0x57;
	s11 =	sand.u32 $0xFF, s11;
	s26 =	smov.u32 s15  }
0x7a: {  	[tilespmem:s19], [sflag:s12] =	stream.linear.gather @!p1 [hbm4b:s13+s14], $0x80, $0x38;
	[tilespmem:$0x1F400] =	vst v63  }
0x7b: {  	s28 =	sadd.s32 $0x80, s28;
	s12 =	sadd.s32 $0x9, s11;
	s11 =	smul.u32 $0xF000, s11  }
0x7c: {  	s15 =	sadd.s32 $0x5, s9;
	s9 =	sor.u32 $0x200, s10;
	_ =	swait.ge [sflag:s12], $0x3C00  }
.Ltmp1:
0x7d: {  	s10 =	sshrl.u32 s11, $0x2;
	[sflag:s12] =	ssyncset.done $0x0;
	(pc) =	sbr.rel @p2 .LBB2_4-.Ltmp1, $4  }
0x7e: {  	s24 =	sadd.s32 $0xFFFFFFFD, s26;
	s10 =	sadd.s32 $0x400, s10;
	[sflag:s12] =	ssyncadd.s32 $0xFFFFC400  }
0x7f: {  	p0 =	sgt.u32 s24, $0x51;
	s11 =	smul.u32 $0xAB, s24;
	_ =	swait.ge [sflag:s15], $0x80  }
0x80: {  	p1 =	seq.s32 @!p0 s26, $0x54;
	s12 =	sadd.s32 @!p0 $0xFFFFFFFF, s26;
	[sflag:s15] =	ssyncset.done $0x0  }
0x81: {  	s13 =	sand.u32 @!p0 $0x3, s12;
	s14 =	smul.u32 @!p0 $0xAB, s12;
	[sflag:s15] =	ssyncadd.s32 $0xFFFFFF80  }
0x82: {  	[spmem:s2] =	stream.indirect.scatter.add.f32 [tilespmem:s10], [sflag:$0xC], $0x80, s9, s31, $0xb8;
	[tilespmem:$0x1F400] =	vst v63  }
0x83: {  	s16 =	sshrl.u32 s11, $0x9;
	s9 =	sshrl.u32 @!p0 s14, $0x9  }
0x84: {  	s11 =	sadd.s32 @!p0 $0x1, s13;
	p1 =	por p1, p0;
	s9 =	sand.u32 @!p0 $0x7F, s9  }
0x85: {  	_ =	swait.ge [sflag:s23], $0x3C00;
	s10 =	sand.u32 $0x7F, s16;
	s9 =	smul.u32 @!p0 $0x3, s9  }
0x86: {  	s15 =	sand.u32 @!p1 $0x380, s28;
	s16 =	sand.u32 @!p1 $0x7C00, s28;
	[sflag:s23] =	ssyncset.done $0x0  }
0x87: {  	s10 =	smul.u32 $0x3, s10;
	[sflag:s23] =	ssyncadd.s32 $0xFFFFC400;
	s9 =	ssub.s32 @!p0 s12, s9  }
0x88: {  	s16 =	sadd.s32 @!p1 s8, s16;
	_ =	swait.ge @!p0 [sflag:s11], $0x80;
	s9 =	sand.u32 @!p0 $0xFF, s9  }
0x89: {  	s17 =	ssub.s32 s24, s10;
	s10 =	sor.u32 @!p1 s15, s16;
	s14 =	smul.u32 @!p0 $0xF000, s9  }
0x8a: {  	s12 =	sshll.u32 @!p0 s13, $0x7;
	s13 =	simm.s32 @!p0 $0x78;
	[sflag:s11] =	ssyncset.done @!p0 $0x0  }
0x8b: {  	s10 =	sshrl.u32 @!p1 s10, $0x3;
	[sflag:s11] =	ssyncadd.s32 @!p0 $0xFFFFFF80;
	s14 =	sshrl.u32 @!p0 s14, $0x2  }
0x8c: {  	s9 =	sadd.s32 @!p0 $0x9, s9;
	s11 =	sadd.s32 @!p0 $0x400, s14;
	s14 =	sadd.s32 @!p1 s6, s10  }
0x8d: {  	[tilespmem:s11], [sflag:s9] =	stream.indirect.gather @!p0 [hbm4b:s1+s13], $0x80, s12, s13, $0xb8;
	[tilespmem:$0x1F400] =	vst v63  }
0x8e: {  	s10 =	sadd.s32 @!p1 s5, s10;
	s11 =	sand.u32 @!p1 $0x3, s26;
	s12 =	simm.s32 @!p1 $0x0  }
0x8f: {  	s9 =	sand.u32 $0xFF, s17;
	s13 =	sshll.u32 @!p1 s11, $0x7;
	s15 =	sadd.s32 @!p1 $0x1, s11  }
0x90: {  	[tilespmem:s13], [sflag:s15] =	stream.linear.gather @!p1 [hbm4b:s14+s12], $0x80, $0x38;
	[tilespmem:$0x1F400] =	vst v63  }
0x91: {  	s11 =	sadd.s32 @!p1 $0x5, s11;
	s18 =	sadd.s32 $0x9, s9;
	s13 =	sor.u32 @!p1 $0x200, s13  }
0x92: {  	[tilespmem:s13], [sflag:s11] =	stream.linear.gather @!p1 [hbm4b:s10+s12], $0x80, $0x38;
	[tilespmem:$0x1F400] =	vst v63  }
0x93: {  	_ =	swait.ge [sflag:s18], $0x3C00  }
0x94: {  	s19 =	sand.u32 $0x3, s24;
	[sflag:s18] =	ssyncset.done $0x0  }
0x95: {  	s24 =	sadd.s32 $0x5, s19;
	s9 =	smul.u32 $0xF000, s9;
	[sflag:s18] =	ssyncadd.s32 $0xFFFFC400  }
0x96: {  	_ =	swait.ge [sflag:s24], $0x80  }
0x97: {  	s26 =	sshll.u32 s19, $0x7;
	s9 =	sshrl.u32 s9, $0x2;
	[sflag:s24] =	ssyncset.done $0x0  }
0x98: {  	s10 =	sor.u32 $0x200, s26;
	s9 =	sadd.s32 $0x400, s9;
	[sflag:s24] =	ssyncadd.s32 $0xFFFFFF80  }
0x99: {  	[spmem:s2] =	stream.indirect.scatter.add.f32 [tilespmem:s9], [sflag:$0xC], $0x80, s10, s31, $0xb8;
	[tilespmem:$0x1F400] =	vst v63  }
0x9a: {  	s29 =	sshrl.u32 s7, $0x3;
	_ =	swait.ge [sflag:s23], $0x3C00  }
0x9b: {  	s3 =	sadd.s32 $0x1, s3;
	s28 =	stileid.u32;
	[sflag:s23] =	ssyncset.done $0x0  }
0x9c: {  	p0 =	sne.s32 s3, s21;
	s9 =	sshll.u32 s28, $0x6;
	[sflag:s23] =	ssyncadd.s32 $0xFFFFC400  }
.Ltmp2:
0x9d: {  	s9 =	sor.u32 $0x1C0C, s9;
	[bflag:$0x0] =	sbarrier.arrive $0xFFFF;
	(pc) =	sbr.rel @p0 .LBB2_1-.Ltmp2, $4  }
0x9e: {  	[hbm:s20], [sflag:s9] =	dma.local [spmem:s29], $0x2780  }
0x9f: {  	_ =	swait.ge [sflag:s23], $0x2780  }
0xa0: {  	[sflag:s23] =	ssyncset.done $0x0  }
0xa1: {  	[sflag:s23] =	ssyncadd.s32 $0xFFFFD880  }
0xa2: {  	_ =	sfence.sel $0x180000  }
0xa3: {  	[bflag:$0x0] =	sbarrier.arrive $0xFFFF  }
0xa4: {  	_ =	strace $0x9000004A  }
0xa5: {  	s0 =	stileid.u32;
	[bflag:$0x2] =	sbarrier.arrive $0xFFFF  }
0xa6: {  	p0 =	sne.s32 s0, $0x0;
	s0 =	rddreg [dreg:$0x3]  }
0xa7: {  	s0 =	sadd.s32 @!p0 $0x100000, s0  }
0xa8: {  	[sflag:s0] =	ssyncadd.tile.s32 @!p0 $0x1;
	_ =	shalt  }
.Lfunc_end2:
_tile_overlayer_lowered:
.L_overlay_start_2:
0xa9: {  	(tag) =	ssettag $0x2  }
0xaa: {  	s0 =	rddreg [dreg:$0x0];
	s2 =	stileid.u32  }
0xab: {  	s1 =	rddreg [dreg:$0x1];
	p0 =	sne.s32 s2, $0x0  }
0xac: {  	s3 =	rddreg [dreg:$0x2];
	[bflag:$0x3] =	sbarrier.arrive $0xFFFF;
	s2 =	simm.s32 @!p0 $0x1C0C  }
0xad: {  	[timem:s3], [sflag:s2] =	dma.local @!p0 [hbm:s0], s1  }
0xae: {  	s0 =	simm.s32 @!p0 $0xC  }
0xaf: {  	_ =	swait.ge @!p0 [sflag:s0], s1  }
0xb0: {  	s1 =	ssub.s32 @!p0 $0x0, s1;
	[sflag:s0] =	ssyncset.done @!p0 $0x0  }
0xb1: {  	[sflag:s0] =	ssyncadd.s32 @!p0 s1  }
0xb2: {  	[bflag:$0x3] =	sbarrier.arrive $0xFFFF  }
0xb3: {  	_ =	shalt  }

</sc_bundles>
